<compile_context>
chip_gen: v7x
topology: tpu7x:2x2x1
jax: 0.10.2.dev20260603
libtpu: 0.0.44.dev20260713+nightly
codegen_flags: <defaults>
</compile_context>

<pallas_src>
import functools

import jax
import jax.numpy as jnp
from jax import lax
from jax.experimental import pallas as pl
from jax.experimental.pallas import tpu as pltpu
from jax.experimental.pallas import tpu_sc as plsc

N = 10000
E = 320000
D = 128
DE = 4
NC = 2
NS = 16
NW = NC * NS
EPW = E // NW
K = 80
NCHUNK = EPW // K
RPT = 624
TAIL = N - NS * RPT
ZR = 208


def _bias_body(a1_ref, a2_ref, w1_ref, w2_ref, p1_ref, p2_ref):
    p1_ref[...] = jnp.dot(a1_ref[...], w1_ref[...],
                          preferred_element_type=jnp.float32)
    p2_ref[...] = jnp.dot(a2_ref[...], w2_ref[...],
                          preferred_element_type=jnp.float32)


def _edge_bias(attr1, attr2, we1, we2):
    BE = 8000
    return pl.pallas_call(
        _bias_body,
        grid=(E // BE,),
        in_specs=[
            pl.BlockSpec((BE, DE), lambda i: (i, 0)),
            pl.BlockSpec((BE, DE), lambda i: (i, 0)),
            pl.BlockSpec((DE, D), lambda i: (0, 0)),
            pl.BlockSpec((DE, D), lambda i: (0, 0)),
        ],
        out_specs=[
            pl.BlockSpec((BE, D), lambda i: (i, 0)),
            pl.BlockSpec((BE, D), lambda i: (i, 0)),
        ],
        out_shape=[
            jax.ShapeDtypeStruct((E, D), jnp.float32),
            jax.ShapeDtypeStruct((E, D), jnp.float32),
        ],
    )(attr1, attr2, we1, we2)


def _update_body(x_ref, agg_ref, w_ref, b_ref, o_ref):
    s = x_ref[...] + agg_ref[0] + agg_ref[1]
    y = jnp.dot(s, w_ref[...], preferred_element_type=jnp.float32)
    o_ref[...] = jnp.maximum(y + b_ref[...], 0.0)


def _update(x, agg, w, b2d):
    R = 2000
    return pl.pallas_call(
        _update_body,
        grid=(N // R,),
        in_specs=[
            pl.BlockSpec((R, D), lambda i: (i, 0)),
            pl.BlockSpec((NC, R, D), lambda i: (0, i, 0)),
            pl.BlockSpec((D, D), lambda i: (0, 0)),
            pl.BlockSpec((1, D), lambda i: (0, 0)),
        ],
        out_specs=pl.BlockSpec((R, D), lambda i: (i, 0)),
        out_shape=jax.ShapeDtypeStruct((N, D), jnp.float32),
    )(x, agg, w, b2d)


def _sc_agg(xsrc, sidx, didx, p):
    mesh = plsc.VectorSubcoreMesh(core_axis_name="c", subcore_axis_name="s")

    @functools.partial(
        pl.kernel,
        mesh=mesh,
        out_type=jax.ShapeDtypeStruct((NC, N, D), jnp.float32),
        scratch_types=[
            pltpu.VMEM((K,), jnp.int32),
            pltpu.VMEM((K,), jnp.int32),
            pltpu.VMEM((K, D), jnp.float32),
            pltpu.VMEM((K, D), jnp.float32),
            pltpu.VMEM((ZR, D), jnp.float32),
            pltpu.VMEM_SHARED((N, D), jnp.float32),
            pltpu.SemaphoreType.DMA,
        ],
    )
    def k(xsrc_hbm, sidx_hbm, didx_hbm, p_hbm, out_hbm,
          sidx_v, didx_v, rows_v, p_v, zero_v, acc_sh, sem):
        cid = lax.axis_index("c")
        sid = lax.axis_index("s")
        zvec = jnp.zeros((16,), jnp.float32)

        def zrow(r, carry):
            for g in range(D // 16):
                zero_v[r, pl.ds(g * 16, 16)] = zvec
            return carry

        lax.fori_loop(0, ZR, zrow, 0)
        for j in range(RPT // ZR):
            pltpu.sync_copy(zero_v, acc_sh.at[pl.ds(sid * RPT + j * ZR, ZR)])

        @pl.when(sid == 0)
        def _zero_tail():
            pltpu.sync_copy(zero_v.at[pl.ds(0, TAIL)],
                            acc_sh.at[pl.ds(NS * RPT, TAIL)])

        plsc.subcore_barrier()

        ebase = (cid * NS + sid) * EPW

        def chunk(c, carry):
            base = ebase + c * K
            pltpu.sync_copy(sidx_hbm.at[pl.ds(base, K)], sidx_v)
            pltpu.sync_copy(didx_hbm.at[pl.ds(base, K)], didx_v)
            pltpu.async_copy(xsrc_hbm.at[sidx_v], rows_v, sem).wait()
            pltpu.sync_copy(p_hbm.at[pl.ds(base, K)], p_v)

            def edge(e, inner):
                for g in range(D // 16):
                    s = pl.ds(g * 16, 16)
                    p_v[e, s] = jnp.maximum(rows_v[e, s] + p_v[e, s], 0.0)
                return inner

            lax.fori_loop(0, K, edge, 0)
            pltpu.sync_copy(p_v, acc_sh.at[didx_v], add=True)
            return carry

        lax.fori_loop(0, NCHUNK, chunk, 0)
        plsc.subcore_barrier()
        pltpu.sync_copy(acc_sh.at[pl.ds(sid * RPT, RPT)],
                        out_hbm.at[cid, pl.ds(sid * RPT, RPT)])

        @pl.when(sid == 0)
        def _copy_tail():
            pltpu.sync_copy(acc_sh.at[pl.ds(NS * RPT, TAIL)],
                            out_hbm.at[cid, pl.ds(NS * RPT, TAIL)])

    return k(xsrc, sidx, didx, p)


def kernel(cons_embedding, vals_embedding, cons_embedding_0, vals_embedding_0,
           v2c_edge_index, c2v_edge_index, v2c_edge_attr, c2v_edge_attr,
           cons_batch, vals_batch, W_e1, W1, b1, W_e2, W2, b2):
    v2c_src = v2c_edge_index[0].astype(jnp.int32)
    v2c_dst = v2c_edge_index[1].astype(jnp.int32)
    c2v_src = c2v_edge_index[0].astype(jnp.int32)
    c2v_dst = c2v_edge_index[1].astype(jnp.int32)
    p1, p2 = _edge_bias(v2c_edge_attr, c2v_edge_attr, W_e1, W_e2)
    agg1 = _sc_agg(vals_embedding, v2c_src, v2c_dst, p1)
    cons_new = _update(cons_embedding, agg1, W1, b1.reshape(1, D))
    agg2 = _sc_agg(cons_new, c2v_src, c2v_dst, p2)
    vals_new = _update(vals_embedding, agg2, W2, b2.reshape(1, D))
    return (vals_new, cons_new)

# --- scband reference (transcript-rebuilt; emitter-appended) ---
"""Pipeline reference for scband-bipartite-conv-65249143161463 (READ-ONLY COPY).

The authoritative reference and input builder live on the scoring server;
editing this copy changes nothing except your own understanding.
"""

import jax, jax.numpy as jnp
import numpy as np

N_CONS = 10000
N_VALS = 10000
E = 320000
D = 128
DE = 4


def setup_inputs(seed: int = 0) -> dict:
    key = jax.random.key(seed)
    ks = jax.random.split(key, 18)
    cons_embedding = jax.random.normal(ks[0], (N_CONS, D), dtype=jnp.float32)
    vals_embedding = jax.random.normal(ks[1], (N_VALS, D), dtype=jnp.float32)
    cons_embedding_0 = jax.random.normal(ks[2], (N_CONS, D), dtype=jnp.float32)
    vals_embedding_0 = jax.random.normal(ks[3], (N_VALS, D), dtype=jnp.float32)
    v2c_edge_index = jax.random.randint(ks[4], (2, E), 0, N_VALS, dtype=jnp.int64)
    c2v_edge_index = jax.random.randint(ks[5], (2, E), 0, N_CONS, dtype=jnp.int64)
    v2c_edge_attr = jax.random.uniform(ks[6], (E, DE), dtype=jnp.float32)
    c2v_edge_attr = jax.random.uniform(ks[7], (E, DE), dtype=jnp.float32)
    cons_batch = jnp.sort(jax.random.randint(ks[8], (N_CONS,), 0, 16, dtype=jnp.int64))
    vals_batch = jnp.sort(jax.random.randint(ks[9], (N_VALS,), 0, 16, dtype=jnp.int64))
    s_e = 1.0 / np.sqrt(DE)
    s_d = 1.0 / np.sqrt(D)
    W_e1 = jax.random.normal(ks[10], (DE, D), dtype=jnp.float32) * s_e
    W1 = jax.random.normal(ks[11], (D, D), dtype=jnp.float32) * s_d
    b1 = jnp.zeros((D,), dtype=jnp.float32)
    W_e2 = jax.random.normal(ks[12], (DE, D), dtype=jnp.float32) * s_e
    W2 = jax.random.normal(ks[13], (D, D), dtype=jnp.float32) * s_d
    b2 = jnp.zeros((D,), dtype=jnp.float32)
    return {
        "cons_embedding": cons_embedding,
        "vals_embedding": vals_embedding,
        "cons_embedding_0": cons_embedding_0,
        "vals_embedding_0": vals_embedding_0,
        "v2c_edge_index": v2c_edge_index,
        "c2v_edge_index": c2v_edge_index,
        "v2c_edge_attr": v2c_edge_attr,
        "c2v_edge_attr": c2v_edge_attr,
        "cons_batch": cons_batch,
        "vals_batch": vals_batch,
        "W_e1": W_e1, "W1": W1, "b1": b1,
        "W_e2": W_e2, "W2": W2, "b2": b2,
    }


def _conv(x_src, x_dst, edge_index, edge_attr, W_e, W, b, num_dst):
    # GINE-style bipartite conv: gather src features along edges, mix in edge attrs,
    # scatter-add to dst nodes, then dense update with ReLU.
    src = edge_index[0]
    dst = edge_index[1]
    msg = jax.nn.relu(jnp.take(x_src, src, axis=0) + edge_attr @ W_e)
    agg = jax.ops.segment_sum(msg, dst, num_segments=num_dst)
    return jax.nn.relu((x_dst + agg) @ W + b)


def reference(cons_embedding, vals_embedding, cons_embedding_0, vals_embedding_0,
              v2c_edge_index, c2v_edge_index, v2c_edge_attr, c2v_edge_attr,
              cons_batch, vals_batch, W_e1, W1, b1, W_e2, W2, b2):
    # no-skip path of BipartiteConv (convs have no x_0 param):
    # cons <- v2c_conv((vals, cons), v2c_edge_index, v2c_edge_attr, cons_batch)
    # vals <- c2v_conv((cons_new, vals), c2v_edge_index, c2v_edge_attr, vals_batch)
    cons_new = _conv(vals_embedding, cons_embedding, v2c_edge_index, v2c_edge_attr,
                     W_e1, W1, b1, N_CONS)
    vals_new = _conv(cons_new, vals_embedding, c2v_edge_index, c2v_edge_attr,
                     W_e2, W2, b2, N_VALS)
    return (vals_new, cons_new)

if __name__ == "__main__":
    import jax
    _d = setup_inputs()
    print(jax.jit(kernel)(*tuple(_d.values())))

</pallas_src>

<mosaic_0001>
#map = affine_map<(d0, d1) -> (0, 0)>
#map1 = affine_map<(d0, d1) -> (0)>
#map2 = affine_map<(d0, d1) -> (0, 0, 0)>
module attributes {stable_mosaic.version = 14 : i64} {
  func.func @k(%arg0: i32, %arg1: i32, %arg2: memref<10000x128xf32, #tpu.memory_space<hbm>>, %arg3: memref<320000xi32, #tpu.memory_space<hbm>>, %arg4: memref<320000xi32, #tpu.memory_space<hbm>>, %arg5: memref<320000x128xf32, #tpu.memory_space<hbm>>, %arg6: memref<2x10000x128xf32, #tpu.memory_space<hbm>>, %arg7: memref<80xi32, #tpu.memory_space<vmem>>, %arg8: memref<80xi32, #tpu.memory_space<vmem>>, %arg9: memref<80x128xf32, #tpu.memory_space<vmem>>, %arg10: memref<80x128xf32, #tpu.memory_space<vmem>>, %arg11: memref<208x128xf32, #tpu.memory_space<vmem>>, %arg12: memref<10000x128xf32, #tpu.memory_space<vmem_shared>>, %arg13: memref<!tpu.dma_semaphore, #tpu.memory_space<semaphore_mem>>) attributes {dimension_semantics = [#tpu.dimension_semantics<core_parallel>, #tpu.dimension_semantics<subcore_parallel>], iteration_bounds = array<i64: 2, 16>, scalar_prefetch = 0 : i64, scratch_operands = 7 : i64, tpu.core_type = #tpu.core_type<sc_vector_subcore>, window_params = [{transform_indices = #map}, {transform_indices = #map1}, {transform_indices = #map1}, {transform_indices = #map}, {transform_indices = #map2}]} {
    %broadcast_in_dim3A = arith.constant 0.000000e+00 : f32
    %broadcast_in_dim3A_0 = vector.broadcast %broadcast_in_dim3A : f32 to vector<16xf32>
    %scan3A = arith.constant 0 : i32
    %scan3A_1 = arith.constant 0 : i32
    %scan3A_2 = arith.constant 208 : i32
    %scan3A_3 = arith.addi %scan3A_1, %scan3A_2 : i32
    %scan3A_4 = arith.constant 1 : i32
    scf.for %scan3A_39 = %scan3A_1 to %scan3A_3 step %scan3A_4  : i32 {
      %swap3A = arith.index_cast %scan3A_39 : i32 to index
      %swap3A_40 = arith.constant 0 : index
      %swap3A_41 = tpu.vector_load %arg11[%swap3A, %swap3A_40] {strides = array<i32>} : memref<208x128xf32, #tpu.memory_space<vmem>>, vector<1x16xf32>,
      %swap3A_42 = vector.shape_cast %swap3A_41 : vector<1x16xf32> to vector<16xf32>
      %swap3A_43 = vector.shape_cast %broadcast_in_dim3A_0 : vector<16xf32> to vector<1x16xf32>
      tpu.vector_store %arg11[%swap3A, %swap3A_40], %swap3A_43 {strides = array<i32>} : memref<208x128xf32, #tpu.memory_space<vmem>>, vector<1x16xf32>,
      %swap3A_44 = arith.index_cast %scan3A_39 : i32 to index
      %swap3A_45 = arith.constant 16 : index
      %swap3A_46 = tpu.vector_load %arg11[%swap3A_44, %swap3A_45] {strides = array<i32>} : memref<208x128xf32, #tpu.memory_space<vmem>>, vector<1x16xf32>,
      %swap3A_47 = vector.shape_cast %swap3A_46 : vector<1x16xf32> to vector<16xf32>
      %swap3A_48 = vector.shape_cast %broadcast_in_dim3A_0 : vector<16xf32> to vector<1x16xf32>
      tpu.vector_store %arg11[%swap3A_44, %swap3A_45], %swap3A_48 {strides = array<i32>} : memref<208x128xf32, #tpu.memory_space<vmem>>, vector<1x16xf32>,
      %swap3A_49 = arith.index_cast %scan3A_39 : i32 to index
      %swap3A_50 = arith.constant 32 : index
      %swap3A_51 = tpu.vector_load %arg11[%swap3A_49, %swap3A_50] {strides = array<i32>} : memref<208x128xf32, #tpu.memory_space<vmem>>, vector<1x16xf32>,
      %swap3A_52 = vector.shape_cast %swap3A_51 : vector<1x16xf32> to vector<16xf32>
      %swap3A_53 = vector.shape_cast %broadcast_in_dim3A_0 : vector<16xf32> to vector<1x16xf32>
      tpu.vector_store %arg11[%swap3A_49, %swap3A_50], %swap3A_53 {strides = array<i32>} : memref<208x128xf32, #tpu.memory_space<vmem>>, vector<1x16xf32>,
      %swap3A_54 = arith.index_cast %scan3A_39 : i32 to index
      %swap3A_55 = arith.constant 48 : index
      %swap3A_56 = tpu.vector_load %arg11[%swap3A_54, %swap3A_55] {strides = array<i32>} : memref<208x128xf32, #tpu.memory_space<vmem>>, vector<1x16xf32>,
      %swap3A_57 = vector.shape_cast %swap3A_56 : vector<1x16xf32> to vector<16xf32>
      %swap3A_58 = vector.shape_cast %broadcast_in_dim3A_0 : vector<16xf32> to vector<1x16xf32>
      tpu.vector_store %arg11[%swap3A_54, %swap3A_55], %swap3A_58 {strides = array<i32>} : memref<208x128xf32, #tpu.memory_space<vmem>>, vector<1x16xf32>,
      %swap3A_59 = arith.index_cast %scan3A_39 : i32 to index
      %swap3A_60 = arith.constant 64 : index
      %swap3A_61 = tpu.vector_load %arg11[%swap3A_59, %swap3A_60] {strides = array<i32>} : memref<208x128xf32, #tpu.memory_space<vmem>>, vector<1x16xf32>,
      %swap3A_62 = vector.shape_cast %swap3A_61 : vector<1x16xf32> to vector<16xf32>
      %swap3A_63 = vector.shape_cast %broadcast_in_dim3A_0 : vector<16xf32> to vector<1x16xf32>
      tpu.vector_store %arg11[%swap3A_59, %swap3A_60], %swap3A_63 {strides = array<i32>} : memref<208x128xf32, #tpu.memory_space<vmem>>, vector<1x16xf32>,
      %swap3A_64 = arith.index_cast %scan3A_39 : i32 to index
      %swap3A_65 = arith.constant 80 : index
      %swap3A_66 = tpu.vector_load %arg11[%swap3A_64, %swap3A_65] {strides = array<i32>} : memref<208x128xf32, #tpu.memory_space<vmem>>, vector<1x16xf32>,
      %swap3A_67 = vector.shape_cast %swap3A_66 : vector<1x16xf32> to vector<16xf32>
      %swap3A_68 = vector.shape_cast %broadcast_in_dim3A_0 : vector<16xf32> to vector<1x16xf32>
      tpu.vector_store %arg11[%swap3A_64, %swap3A_65], %swap3A_68 {strides = array<i32>} : memref<208x128xf32, #tpu.memory_space<vmem>>, vector<1x16xf32>,
      %swap3A_69 = arith.index_cast %scan3A_39 : i32 to index
      %swap3A_70 = arith.constant 96 : index
      %swap3A_71 = tpu.vector_load %arg11[%swap3A_69, %swap3A_70] {strides = array<i32>} : memref<208x128xf32, #tpu.memory_space<vmem>>, vector<1x16xf32>,
      %swap3A_72 = vector.shape_cast %swap3A_71 : vector<1x16xf32> to vector<16xf32>
      %swap3A_73 = vector.shape_cast %broadcast_in_dim3A_0 : vector<16xf32> to vector<1x16xf32>
      tpu.vector_store %arg11[%swap3A_69, %swap3A_70], %swap3A_73 {strides = array<i32>} : memref<208x128xf32, #tpu.memory_space<vmem>>, vector<1x16xf32>,
      %swap3A_74 = arith.index_cast %scan3A_39 : i32 to index
      %swap3A_75 = arith.constant 112 : index
      %swap3A_76 = tpu.vector_load %arg11[%swap3A_74, %swap3A_75] {strides = array<i32>} : memref<208x128xf32, #tpu.memory_space<vmem>>, vector<1x16xf32>,
      %swap3A_77 = vector.shape_cast %swap3A_76 : vector<1x16xf32> to vector<16xf32>
      %swap3A_78 = vector.shape_cast %broadcast_in_dim3A_0 : vector<16xf32> to vector<1x16xf32>
      tpu.vector_store %arg11[%swap3A_74, %swap3A_75], %swap3A_78 {strides = array<i32>} : memref<208x128xf32, #tpu.memory_space<vmem>>, vector<1x16xf32>,
    }
    %scan3A_5 = arith.constant 208 : i32
    %mul3A = arith.constant 624 : i32
    %mul3A_6 = arith.muli %arg1, %mul3A : i32
    %add3A = arith.constant 0 : i32
    %add3A_7 = arith.addi %mul3A_6, %add3A : i32
    "tpu.region"() ({
      %run_scoped3A = tpu.sem_alloc : memref<!tpu.dma_semaphore, #tpu.memory_space<semaphore_mem>>
      %dma_start3A = arith.constant 0 : i32
      %dma_start3A_39 = tpu.memref_slice %arg12[%add3A_7, %dma_start3A] : memref<10000x128xf32, #tpu.memory_space<vmem_shared>> -> memref<208x128xf32, #tpu.memory_space<vmem_shared>>
      %dma_start3A_40 = arith.constant 0 : i32
      %dma_start3A_41 = tpu.memref_slice %arg12[%add3A_7, %dma_start3A_40] : memref<10000x128xf32, #tpu.memory_space<vmem_shared>> -> memref<208x128xf32, #tpu.memory_space<vmem_shared>>
      tpu.enqueue_dma source(%arg11 : memref<208x128xf32, #tpu.memory_space<vmem>>) target(%dma_start3A_41 : memref<208x128xf32, #tpu.memory_space<vmem_shared>>) target_semaphore(%run_scoped3A : memref<!tpu.dma_semaphore, #tpu.memory_space<semaphore_mem>>)
      %dma_wait3A = arith.constant 0 : i32
      %dma_wait3A_42 = tpu.memref_slice %arg12[%add3A_7, %dma_wait3A] : memref<10000x128xf32, #tpu.memory_space<vmem_shared>> -> memref<208x128xf32, #tpu.memory_space<vmem_shared>>
      %dma_wait3A_43 = arith.constant 0 : i32
      %dma_wait3A_44 = tpu.memref_slice %arg12[%add3A_7, %dma_wait3A_43] : memref<10000x128xf32, #tpu.memory_space<vmem_shared>> -> memref<208x128xf32, #tpu.memory_space<vmem_shared>>
      tpu.wait_dma2 semaphore(%run_scoped3A : memref<!tpu.dma_semaphore, #tpu.memory_space<semaphore_mem>>) src(%arg11 : memref<208x128xf32, #tpu.memory_space<vmem>>) dst(%dma_wait3A_44 : memref<208x128xf32, #tpu.memory_space<vmem_shared>>)
      tpu.yield
    }) : () -> ()
    %mul3A_8 = arith.constant 624 : i32
    %mul3A_9 = arith.muli %arg1, %mul3A_8 : i32
    %add3A_10 = arith.constant 208 : i32
    %add3A_11 = arith.addi %mul3A_9, %add3A_10 : i32
    "tpu.region"() ({
      %run_scoped3A = tpu.sem_alloc : memref<!tpu.dma_semaphore, #tpu.memory_space<semaphore_mem>>
      %dma_start3A = arith.constant 0 : i32
      %dma_start3A_39 = tpu.memref_slice %arg12[%add3A_11, %dma_start3A] : memref<10000x128xf32, #tpu.memory_space<vmem_shared>> -> memref<208x128xf32, #tpu.memory_space<vmem_shared>>
      %dma_start3A_40 = arith.constant 0 : i32
      %dma_start3A_41 = tpu.memref_slice %arg12[%add3A_11, %dma_start3A_40] : memref<10000x128xf32, #tpu.memory_space<vmem_shared>> -> memref<208x128xf32, #tpu.memory_space<vmem_shared>>
      tpu.enqueue_dma source(%arg11 : memref<208x128xf32, #tpu.memory_space<vmem>>) target(%dma_start3A_41 : memref<208x128xf32, #tpu.memory_space<vmem_shared>>) target_semaphore(%run_scoped3A : memref<!tpu.dma_semaphore, #tpu.memory_space<semaphore_mem>>)
      %dma_wait3A = arith.constant 0 : i32
      %dma_wait3A_42 = tpu.memref_slice %arg12[%add3A_11, %dma_wait3A] : memref<10000x128xf32, #tpu.memory_space<vmem_shared>> -> memref<208x128xf32, #tpu.memory_space<vmem_shared>>
      %dma_wait3A_43 = arith.constant 0 : i32
      %dma_wait3A_44 = tpu.memref_slice %arg12[%add3A_11, %dma_wait3A_43] : memref<10000x128xf32, #tpu.memory_space<vmem_shared>> -> memref<208x128xf32, #tpu.memory_space<vmem_shared>>
      tpu.wait_dma2 semaphore(%run_scoped3A : memref<!tpu.dma_semaphore, #tpu.memory_space<semaphore_mem>>) src(%arg11 : memref<208x128xf32, #tpu.memory_space<vmem>>) dst(%dma_wait3A_44 : memref<208x128xf32, #tpu.memory_space<vmem_shared>>)
      tpu.yield
    }) : () -> ()
    %mul3A_12 = arith.constant 624 : i32
    %mul3A_13 = arith.muli %arg1, %mul3A_12 : i32
    %add3A_14 = arith.constant 416 : i32
    %add3A_15 = arith.addi %mul3A_13, %add3A_14 : i32
    "tpu.region"() ({
      %run_scoped3A = tpu.sem_alloc : memref<!tpu.dma_semaphore, #tpu.memory_space<semaphore_mem>>
      %dma_start3A = arith.constant 0 : i32
      %dma_start3A_39 = tpu.memref_slice %arg12[%add3A_15, %dma_start3A] : memref<10000x128xf32, #tpu.memory_space<vmem_shared>> -> memref<208x128xf32, #tpu.memory_space<vmem_shared>>
      %dma_start3A_40 = arith.constant 0 : i32
      %dma_start3A_41 = tpu.memref_slice %arg12[%add3A_15, %dma_start3A_40] : memref<10000x128xf32, #tpu.memory_space<vmem_shared>> -> memref<208x128xf32, #tpu.memory_space<vmem_shared>>
      tpu.enqueue_dma source(%arg11 : memref<208x128xf32, #tpu.memory_space<vmem>>) target(%dma_start3A_41 : memref<208x128xf32, #tpu.memory_space<vmem_shared>>) target_semaphore(%run_scoped3A : memref<!tpu.dma_semaphore, #tpu.memory_space<semaphore_mem>>)
      %dma_wait3A = arith.constant 0 : i32
      %dma_wait3A_42 = tpu.memref_slice %arg12[%add3A_15, %dma_wait3A] : memref<10000x128xf32, #tpu.memory_space<vmem_shared>> -> memref<208x128xf32, #tpu.memory_space<vmem_shared>>
      %dma_wait3A_43 = arith.constant 0 : i32
      %dma_wait3A_44 = tpu.memref_slice %arg12[%add3A_15, %dma_wait3A_43] : memref<10000x128xf32, #tpu.memory_space<vmem_shared>> -> memref<208x128xf32, #tpu.memory_space<vmem_shared>>
      tpu.wait_dma2 semaphore(%run_scoped3A : memref<!tpu.dma_semaphore, #tpu.memory_space<semaphore_mem>>) src(%arg11 : memref<208x128xf32, #tpu.memory_space<vmem>>) dst(%dma_wait3A_44 : memref<208x128xf32, #tpu.memory_space<vmem_shared>>)
      tpu.yield
    }) : () -> ()
    %eq3A = arith.constant 0 : i32
    %eq3A_16 = arith.cmpi eq, %arg1, %eq3A : i32
    %convert_element_type3A = arith.extui %eq3A_16 : i1 to i32
    %cond3A = arith.constant 0 : i32
    %cond3A_17 = arith.cmpi ne, %convert_element_type3A, %cond3A : i32
    scf.if %cond3A_17 {
      "tpu.region"() ({
        %run_scoped3A = tpu.sem_alloc : memref<!tpu.dma_semaphore, #tpu.memory_space<semaphore_mem>>
        %dma_start3A = arith.constant 0 : i32
        %dma_start3A_39 = arith.constant 0 : i32
        %dma_start3A_40 = tpu.memref_slice %arg11[%dma_start3A, %dma_start3A_39] : memref<208x128xf32, #tpu.memory_space<vmem>> -> memref<16x128xf32, #tpu.memory_space<vmem>>
        %dma_start3A_41 = arith.constant 9984 : i32
        %dma_start3A_42 = arith.constant 0 : i32
        %dma_start3A_43 = tpu.memref_slice %arg12[%dma_start3A_41, %dma_start3A_42] : memref<10000x128xf32, #tpu.memory_space<vmem_shared>> -> memref<16x128xf32, #tpu.memory_space<vmem_shared>>
        %dma_start3A_44 = arith.constant 9984 : i32
        %dma_start3A_45 = arith.constant 0 : i32
        %dma_start3A_46 = tpu.memref_slice %arg12[%dma_start3A_44, %dma_start3A_45] : memref<10000x128xf32, #tpu.memory_space<vmem_shared>> -> memref<16x128xf32, #tpu.memory_space<vmem_shared>>
        %dma_start3A_47 = arith.constant 0 : i32
        %dma_start3A_48 = arith.constant 0 : i32
        %dma_start3A_49 = tpu.memref_slice %arg11[%dma_start3A_47, %dma_start3A_48] : memref<208x128xf32, #tpu.memory_space<vmem>> -> memref<16x128xf32, #tpu.memory_space<vmem>>
        tpu.enqueue_dma source(%dma_start3A_49 : memref<16x128xf32, #tpu.memory_space<vmem>>) target(%dma_start3A_46 : memref<16x128xf32, #tpu.memory_space<vmem_shared>>) target_semaphore(%run_scoped3A : memref<!tpu.dma_semaphore, #tpu.memory_space<semaphore_mem>>)
        %dma_wait3A = arith.constant 0 : i32
        %dma_wait3A_50 = arith.constant 0 : i32
        %dma_wait3A_51 = tpu.memref_slice %arg11[%dma_wait3A, %dma_wait3A_50] : memref<208x128xf32, #tpu.memory_space<vmem>> -> memref<16x128xf32, #tpu.memory_space<vmem>>
        %dma_wait3A_52 = arith.constant 9984 : i32
        %dma_wait3A_53 = arith.constant 0 : i32
        %dma_wait3A_54 = tpu.memref_slice %arg12[%dma_wait3A_52, %dma_wait3A_53] : memref<10000x128xf32, #tpu.memory_space<vmem_shared>> -> memref<16x128xf32, #tpu.memory_space<vmem_shared>>
        %dma_wait3A_55 = arith.constant 9984 : i32
        %dma_wait3A_56 = arith.constant 0 : i32
        %dma_wait3A_57 = tpu.memref_slice %arg12[%dma_wait3A_55, %dma_wait3A_56] : memref<10000x128xf32, #tpu.memory_space<vmem_shared>> -> memref<16x128xf32, #tpu.memory_space<vmem_shared>>
        %dma_wait3A_58 = arith.constant 0 : i32
        %dma_wait3A_59 = arith.constant 0 : i32
        %dma_wait3A_60 = tpu.memref_slice %arg11[%dma_wait3A_58, %dma_wait3A_59] : memref<208x128xf32, #tpu.memory_space<vmem>> -> memref<16x128xf32, #tpu.memory_space<vmem>>
        tpu.wait_dma2 semaphore(%run_scoped3A : memref<!tpu.dma_semaphore, #tpu.memory_space<semaphore_mem>>) src(%dma_wait3A_60 : memref<16x128xf32, #tpu.memory_space<vmem>>) dst(%dma_wait3A_57 : memref<16x128xf32, #tpu.memory_space<vmem_shared>>)
        tpu.yield
      }) : () -> ()
    } else {
    }
    %barrier3A = arith.constant 0 : index
    tpu.barrier barrier_id(%barrier3A)
    %mul3A_18 = arith.constant 16 : i32
    %mul3A_19 = arith.muli %arg0, %mul3A_18 : i32
    %add3A_20 = arith.addi %mul3A_19, %arg1 : i32
    %mul3A_21 = arith.constant 10000 : i32
    %mul3A_22 = arith.muli %add3A_20, %mul3A_21 : i32
    %scan3A_23 = arith.constant 0 : i32
    %scan3A_24 = arith.constant 0 : i32
    %scan3A_25 = arith.constant 125 : i32
    %scan3A_26 = arith.addi %scan3A_24, %scan3A_25 : i32
    %scan3A_27 = arith.constant 1 : i32
    scf.for %scan3A_39 = %scan3A_24 to %scan3A_26 step %scan3A_27  : i32 {
      %mul3A_40 = arith.constant 80 : i32
      %mul3A_41 = arith.muli %scan3A_39, %mul3A_40 : i32
      %add3A_42 = arith.addi %mul3A_22, %mul3A_41 : i32
      "tpu.region"() ({
        %run_scoped3A = tpu.sem_alloc : memref<!tpu.dma_semaphore, #tpu.memory_space<semaphore_mem>>
        %dma_start3A_53 = tpu.memref_slice %arg3[%add3A_42] : memref<320000xi32, #tpu.memory_space<hbm>> -> memref<80xi32, #tpu.memory_space<hbm>>
        %dma_start3A_54 = tpu.memref_slice %arg3[%add3A_42] : memref<320000xi32, #tpu.memory_space<hbm>> -> memref<80xi32, #tpu.memory_space<hbm>>
        tpu.enqueue_dma source(%dma_start3A_54 : memref<80xi32, #tpu.memory_space<hbm>>) target(%arg7 : memref<80xi32, #tpu.memory_space<vmem>>) target_semaphore(%run_scoped3A : memref<!tpu.dma_semaphore, #tpu.memory_space<semaphore_mem>>)
        %dma_wait3A_55 = tpu.memref_slice %arg3[%add3A_42] : memref<320000xi32, #tpu.memory_space<hbm>> -> memref<80xi32, #tpu.memory_space<hbm>>
        %dma_wait3A_56 = tpu.memref_slice %arg3[%add3A_42] : memref<320000xi32, #tpu.memory_space<hbm>> -> memref<80xi32, #tpu.memory_space<hbm>>
        tpu.wait_dma2 semaphore(%run_scoped3A : memref<!tpu.dma_semaphore, #tpu.memory_space<semaphore_mem>>) src(%dma_wait3A_56 : memref<80xi32, #tpu.memory_space<hbm>>) dst(%arg7 : memref<80xi32, #tpu.memory_space<vmem>>)
        tpu.yield
      }) : () -> ()
      "tpu.region"() ({
        %run_scoped3A = tpu.sem_alloc : memref<!tpu.dma_semaphore, #tpu.memory_space<semaphore_mem>>
        %dma_start3A_53 = tpu.memref_slice %arg4[%add3A_42] : memref<320000xi32, #tpu.memory_space<hbm>> -> memref<80xi32, #tpu.memory_space<hbm>>
        %dma_start3A_54 = tpu.memref_slice %arg4[%add3A_42] : memref<320000xi32, #tpu.memory_space<hbm>> -> memref<80xi32, #tpu.memory_space<hbm>>
        tpu.enqueue_dma source(%dma_start3A_54 : memref<80xi32, #tpu.memory_space<hbm>>) target(%arg8 : memref<80xi32, #tpu.memory_space<vmem>>) target_semaphore(%run_scoped3A : memref<!tpu.dma_semaphore, #tpu.memory_space<semaphore_mem>>)
        %dma_wait3A_55 = tpu.memref_slice %arg4[%add3A_42] : memref<320000xi32, #tpu.memory_space<hbm>> -> memref<80xi32, #tpu.memory_space<hbm>>
        %dma_wait3A_56 = tpu.memref_slice %arg4[%add3A_42] : memref<320000xi32, #tpu.memory_space<hbm>> -> memref<80xi32, #tpu.memory_space<hbm>>
        tpu.wait_dma2 semaphore(%run_scoped3A : memref<!tpu.dma_semaphore, #tpu.memory_space<semaphore_mem>>) src(%dma_wait3A_56 : memref<80xi32, #tpu.memory_space<hbm>>) dst(%arg8 : memref<80xi32, #tpu.memory_space<vmem>>)
        tpu.yield
      }) : () -> ()
      %dma_start3A = arith.constant 0 : i32
      %dma_start3A_43 = arith.constant 0 : i32
      %dma_start3A_44 = tpu.memref_slice %arg2[%dma_start3A, %dma_start3A_43] : memref<10000x128xf32, #tpu.memory_space<hbm>> -> memref<10000x128xf32, #tpu.memory_space<hbm>>
      tpu.enqueue_indirect_dma source(%dma_start3A_44 : memref<10000x128xf32, #tpu.memory_space<hbm>>) target(%arg9 : memref<80x128xf32, #tpu.memory_space<vmem>>) offsets(%arg7 : memref<80xi32, #tpu.memory_space<vmem>>) semaphore(%arg13 : memref<!tpu.dma_semaphore, #tpu.memory_space<semaphore_mem>>)
      %dma_wait3A = arith.constant 0 : i32
      %dma_wait3A_45 = arith.constant 0 : i32
      %dma_wait3A_46 = tpu.memref_slice %arg2[%dma_wait3A, %dma_wait3A_45] : memref<10000x128xf32, #tpu.memory_space<hbm>> -> memref<10000x128xf32, #tpu.memory_space<hbm>>
      tpu.wait_indirect_dma semaphore(%arg13 : memref<!tpu.dma_semaphore, #tpu.memory_space<semaphore_mem>>) src(%dma_wait3A_46 : memref<10000x128xf32, #tpu.memory_space<hbm>>) dst(%arg9 : memref<80x128xf32, #tpu.memory_space<vmem>>)
      "tpu.region"() ({
        %run_scoped3A = tpu.sem_alloc : memref<!tpu.dma_semaphore, #tpu.memory_space<semaphore_mem>>
        %dma_start3A_53 = arith.constant 0 : i32
        %dma_start3A_54 = tpu.memref_slice %arg5[%add3A_42, %dma_start3A_53] : memref<320000x128xf32, #tpu.memory_space<hbm>> -> memref<80x128xf32, #tpu.memory_space<hbm>>
        %dma_start3A_55 = arith.constant 0 : i32
        %dma_start3A_56 = tpu.memref_slice %arg5[%add3A_42, %dma_start3A_55] : memref<320000x128xf32, #tpu.memory_space<hbm>> -> memref<80x128xf32, #tpu.memory_space<hbm>>
        tpu.enqueue_dma source(%dma_start3A_56 : memref<80x128xf32, #tpu.memory_space<hbm>>) target(%arg10 : memref<80x128xf32, #tpu.memory_space<vmem>>) target_semaphore(%run_scoped3A : memref<!tpu.dma_semaphore, #tpu.memory_space<semaphore_mem>>)
        %dma_wait3A_57 = arith.constant 0 : i32
        %dma_wait3A_58 = tpu.memref_slice %arg5[%add3A_42, %dma_wait3A_57] : memref<320000x128xf32, #tpu.memory_space<hbm>> -> memref<80x128xf32, #tpu.memory_space<hbm>>
        %dma_wait3A_59 = arith.constant 0 : i32
        %dma_wait3A_60 = tpu.memref_slice %arg5[%add3A_42, %dma_wait3A_59] : memref<320000x128xf32, #tpu.memory_space<hbm>> -> memref<80x128xf32, #tpu.memory_space<hbm>>
        tpu.wait_dma2 semaphore(%run_scoped3A : memref<!tpu.dma_semaphore, #tpu.memory_space<semaphore_mem>>) src(%dma_wait3A_60 : memref<80x128xf32, #tpu.memory_space<hbm>>) dst(%arg10 : memref<80x128xf32, #tpu.memory_space<vmem>>)
        tpu.yield
      }) : () -> ()
      %scan3A_47 = arith.constant 0 : i32
      %scan3A_48 = arith.constant 0 : i32
      %scan3A_49 = arith.constant 80 : i32
      %scan3A_50 = arith.addi %scan3A_48, %scan3A_49 : i32
      %scan3A_51 = arith.constant 1 : i32
      scf.for %scan3A_53 = %scan3A_48 to %scan3A_50 step %scan3A_51  : i32 {
        %get3A = arith.index_cast %scan3A_53 : i32 to index
        %get3A_54 = arith.constant 0 : index
        %get3A_55 = tpu.vector_load %arg9[%get3A, %get3A_54] {strides = array<i32>} : memref<80x128xf32, #tpu.memory_space<vmem>>, vector<1x16xf32>,
        %get3A_56 = vector.shape_cast %get3A_55 : vector<1x16xf32> to vector<16xf32>
        %get3A_57 = arith.index_cast %scan3A_53 : i32 to index
        %get3A_58 = arith.constant 0 : index
        %get3A_59 = tpu.vector_load %arg10[%get3A_57, %get3A_58] {strides = array<i32>} : memref<80x128xf32, #tpu.memory_space<vmem>>, vector<1x16xf32>,
        %get3A_60 = vector.shape_cast %get3A_59 : vector<1x16xf32> to vector<16xf32>
        %add3A_61 = arith.addf %get3A_56, %get3A_60 : vector<16xf32>
        %max3A = arith.constant 0.000000e+00 : f32
        %max3A_62 = vector.broadcast %max3A : f32 to vector<16xf32>
        %max3A_63 = arith.maximumf %add3A_61, %max3A_62 : vector<16xf32>
        %swap3A = arith.index_cast %scan3A_53 : i32 to index
        %swap3A_64 = arith.constant 0 : index
        %swap3A_65 = tpu.vector_load %arg10[%swap3A, %swap3A_64] {strides = array<i32>} : memref<80x128xf32, #tpu.memory_space<vmem>>, vector<1x16xf32>,
        %swap3A_66 = vector.shape_cast %swap3A_65 : vector<1x16xf32> to vector<16xf32>
        %swap3A_67 = vector.shape_cast %max3A_63 : vector<16xf32> to vector<1x16xf32>
        tpu.vector_store %arg10[%swap3A, %swap3A_64], %swap3A_67 {strides = array<i32>} : memref<80x128xf32, #tpu.memory_space<vmem>>, vector<1x16xf32>,
        %get3A_68 = arith.index_cast %scan3A_53 : i32 to index
        %get3A_69 = arith.constant 16 : index
        %get3A_70 = tpu.vector_load %arg9[%get3A_68, %get3A_69] {strides = array<i32>} : memref<80x128xf32, #tpu.memory_space<vmem>>, vector<1x16xf32>,
        %get3A_71 = vector.shape_cast %get3A_70 : vector<1x16xf32> to vector<16xf32>
        %get3A_72 = arith.index_cast %scan3A_53 : i32 to index
        %get3A_73 = arith.constant 16 : index
        %get3A_74 = tpu.vector_load %arg10[%get3A_72, %get3A_73] {strides = array<i32>} : memref<80x128xf32, #tpu.memory_space<vmem>>, vector<1x16xf32>,
        %get3A_75 = vector.shape_cast %get3A_74 : vector<1x16xf32> to vector<16xf32>
        %add3A_76 = arith.addf %get3A_71, %get3A_75 : vector<16xf32>
        %max3A_77 = arith.constant 0.000000e+00 : f32
        %max3A_78 = vector.broadcast %max3A_77 : f32 to vector<16xf32>
        %max3A_79 = arith.maximumf %add3A_76, %max3A_78 : vector<16xf32>
        %swap3A_80 = arith.index_cast %scan3A_53 : i32 to index
        %swap3A_81 = arith.constant 16 : index
        %swap3A_82 = tpu.vector_load %arg10[%swap3A_80, %swap3A_81] {strides = array<i32>} : memref<80x128xf32, #tpu.memory_space<vmem>>, vector<1x16xf32>,
        %swap3A_83 = vector.shape_cast %swap3A_82 : vector<1x16xf32> to vector<16xf32>
        %swap3A_84 = vector.shape_cast %max3A_79 : vector<16xf32> to vector<1x16xf32>
        tpu.vector_store %arg10[%swap3A_80, %swap3A_81], %swap3A_84 {strides = array<i32>} : memref<80x128xf32, #tpu.memory_space<vmem>>, vector<1x16xf32>,
        %get3A_85 = arith.index_cast %scan3A_53 : i32 to index
        %get3A_86 = arith.constant 32 : index
        %get3A_87 = tpu.vector_load %arg9[%get3A_85, %get3A_86] {strides = array<i32>} : memref<80x128xf32, #tpu.memory_space<vmem>>, vector<1x16xf32>,
        %get3A_88 = vector.shape_cast %get3A_87 : vector<1x16xf32> to vector<16xf32>
        %get3A_89 = arith.index_cast %scan3A_53 : i32 to index
        %get3A_90 = arith.constant 32 : index
        %get3A_91 = tpu.vector_load %arg10[%get3A_89, %get3A_90] {strides = array<i32>} : memref<80x128xf32, #tpu.memory_space<vmem>>, vector<1x16xf32>,
        %get3A_92 = vector.shape_cast %get3A_91 : vector<1x16xf32> to vector<16xf32>
        %add3A_93 = arith.addf %get3A_88, %get3A_92 : vector<16xf32>
        %max3A_94 = arith.constant 0.000000e+00 : f32
        %max3A_95 = vector.broadcast %max3A_94 : f32 to vector<16xf32>
        %max3A_96 = arith.maximumf %add3A_93, %max3A_95 : vector<16xf32>
        %swap3A_97 = arith.index_cast %scan3A_53 : i32 to index
        %swap3A_98 = arith.constant 32 : index
        %swap3A_99 = tpu.vector_load %arg10[%swap3A_97, %swap3A_98] {strides = array<i32>} : memref<80x128xf32, #tpu.memory_space<vmem>>, vector<1x16xf32>,
        %swap3A_100 = vector.shape_cast %swap3A_99 : vector<1x16xf32> to vector<16xf32>
        %swap3A_101 = vector.shape_cast %max3A_96 : vector<16xf32> to vector<1x16xf32>
        tpu.vector_store %arg10[%swap3A_97, %swap3A_98], %swap3A_101 {strides = array<i32>} : memref<80x128xf32, #tpu.memory_space<vmem>>, vector<1x16xf32>,
        %get3A_102 = arith.index_cast %scan3A_53 : i32 to index
        %get3A_103 = arith.constant 48 : index
        %get3A_104 = tpu.vector_load %arg9[%get3A_102, %get3A_103] {strides = array<i32>} : memref<80x128xf32, #tpu.memory_space<vmem>>, vector<1x16xf32>,
        %get3A_105 = vector.shape_cast %get3A_104 : vector<1x16xf32> to vector<16xf32>
        %get3A_106 = arith.index_cast %scan3A_53 : i32 to index
        %get3A_107 = arith.constant 48 : index
        %get3A_108 = tpu.vector_load %arg10[%get3A_106, %get3A_107] {strides = array<i32>} : memref<80x128xf32, #tpu.memory_space<vmem>>, vector<1x16xf32>,
        %get3A_109 = vector.shape_cast %get3A_108 : vector<1x16xf32> to vector<16xf32>
        %add3A_110 = arith.addf %get3A_105, %get3A_109 : vector<16xf32>
        %max3A_111 = arith.constant 0.000000e+00 : f32
        %max3A_112 = vector.broadcast %max3A_111 : f32 to vector<16xf32>
        %max3A_113 = arith.maximumf %add3A_110, %max3A_112 : vector<16xf32>
        %swap3A_114 = arith.index_cast %scan3A_53 : i32 to index
        %swap3A_115 = arith.constant 48 : index
        %swap3A_116 = tpu.vector_load %arg10[%swap3A_114, %swap3A_115] {strides = array<i32>} : memref<80x128xf32, #tpu.memory_space<vmem>>, vector<1x16xf32>,
        %swap3A_117 = vector.shape_cast %swap3A_116 : vector<1x16xf32> to vector<16xf32>
        %swap3A_118 = vector.shape_cast %max3A_113 : vector<16xf32> to vector<1x16xf32>
        tpu.vector_store %arg10[%swap3A_114, %swap3A_115], %swap3A_118 {strides = array<i32>} : memref<80x128xf32, #tpu.memory_space<vmem>>, vector<1x16xf32>,
        %get3A_119 = arith.index_cast %scan3A_53 : i32 to index
        %get3A_120 = arith.constant 64 : index
        %get3A_121 = tpu.vector_load %arg9[%get3A_119, %get3A_120] {strides = array<i32>} : memref<80x128xf32, #tpu.memory_space<vmem>>, vector<1x16xf32>,
        %get3A_122 = vector.shape_cast %get3A_121 : vector<1x16xf32> to vector<16xf32>
        %get3A_123 = arith.index_cast %scan3A_53 : i32 to index
        %get3A_124 = arith.constant 64 : index
        %get3A_125 = tpu.vector_load %arg10[%get3A_123, %get3A_124] {strides = array<i32>} : memref<80x128xf32, #tpu.memory_space<vmem>>, vector<1x16xf32>,
        %get3A_126 = vector.shape_cast %get3A_125 : vector<1x16xf32> to vector<16xf32>
        %add3A_127 = arith.addf %get3A_122, %get3A_126 : vector<16xf32>
        %max3A_128 = arith.constant 0.000000e+00 : f32
        %max3A_129 = vector.broadcast %max3A_128 : f32 to vector<16xf32>
        %max3A_130 = arith.maximumf %add3A_127, %max3A_129 : vector<16xf32>
        %swap3A_131 = arith.index_cast %scan3A_53 : i32 to index
        %swap3A_132 = arith.constant 64 : index
        %swap3A_133 = tpu.vector_load %arg10[%swap3A_131, %swap3A_132] {strides = array<i32>} : memref<80x128xf32, #tpu.memory_space<vmem>>, vector<1x16xf32>,
        %swap3A_134 = vector.shape_cast %swap3A_133 : vector<1x16xf32> to vector<16xf32>
        %swap3A_135 = vector.shape_cast %max3A_130 : vector<16xf32> to vector<1x16xf32>
        tpu.vector_store %arg10[%swap3A_131, %swap3A_132], %swap3A_135 {strides = array<i32>} : memref<80x128xf32, #tpu.memory_space<vmem>>, vector<1x16xf32>,
        %get3A_136 = arith.index_cast %scan3A_53 : i32 to index
        %get3A_137 = arith.constant 80 : index
        %get3A_138 = tpu.vector_load %arg9[%get3A_136, %get3A_137] {strides = array<i32>} : memref<80x128xf32, #tpu.memory_space<vmem>>, vector<1x16xf32>,
        %get3A_139 = vector.shape_cast %get3A_138 : vector<1x16xf32> to vector<16xf32>
        %get3A_140 = arith.index_cast %scan3A_53 : i32 to index
        %get3A_141 = arith.constant 80 : index
        %get3A_142 = tpu.vector_load %arg10[%get3A_140, %get3A_141] {strides = array<i32>} : memref<80x128xf32, #tpu.memory_space<vmem>>, vector<1x16xf32>,
        %get3A_143 = vector.shape_cast %get3A_142 : vector<1x16xf32> to vector<16xf32>
        %add3A_144 = arith.addf %get3A_139, %get3A_143 : vector<16xf32>
        %max3A_145 = arith.constant 0.000000e+00 : f32
        %max3A_146 = vector.broadcast %max3A_145 : f32 to vector<16xf32>
        %max3A_147 = arith.maximumf %add3A_144, %max3A_146 : vector<16xf32>
        %swap3A_148 = arith.index_cast %scan3A_53 : i32 to index
        %swap3A_149 = arith.constant 80 : index
        %swap3A_150 = tpu.vector_load %arg10[%swap3A_148, %swap3A_149] {strides = array<i32>} : memref<80x128xf32, #tpu.memory_space<vmem>>, vector<1x16xf32>,
        %swap3A_151 = vector.shape_cast %swap3A_150 : vector<1x16xf32> to vector<16xf32>
        %swap3A_152 = vector.shape_cast %max3A_147 : vector<16xf32> to vector<1x16xf32>
        tpu.vector_store %arg10[%swap3A_148, %swap3A_149], %swap3A_152 {strides = array<i32>} : memref<80x128xf32, #tpu.memory_space<vmem>>, vector<1x16xf32>,
        %get3A_153 = arith.index_cast %scan3A_53 : i32 to index
        %get3A_154 = arith.constant 96 : index
        %get3A_155 = tpu.vector_load %arg9[%get3A_153, %get3A_154] {strides = array<i32>} : memref<80x128xf32, #tpu.memory_space<vmem>>, vector<1x16xf32>,
        %get3A_156 = vector.shape_cast %get3A_155 : vector<1x16xf32> to vector<16xf32>
        %get3A_157 = arith.index_cast %scan3A_53 : i32 to index
        %get3A_158 = arith.constant 96 : index
        %get3A_159 = tpu.vector_load %arg10[%get3A_157, %get3A_158] {strides = array<i32>} : memref<80x128xf32, #tpu.memory_space<vmem>>, vector<1x16xf32>,
        %get3A_160 = vector.shape_cast %get3A_159 : vector<1x16xf32> to vector<16xf32>
        %add3A_161 = arith.addf %get3A_156, %get3A_160 : vector<16xf32>
        %max3A_162 = arith.constant 0.000000e+00 : f32
        %max3A_163 = vector.broadcast %max3A_162 : f32 to vector<16xf32>
        %max3A_164 = arith.maximumf %add3A_161, %max3A_163 : vector<16xf32>
        %swap3A_165 = arith.index_cast %scan3A_53 : i32 to index
        %swap3A_166 = arith.constant 96 : index
        %swap3A_167 = tpu.vector_load %arg10[%swap3A_165, %swap3A_166] {strides = array<i32>} : memref<80x128xf32, #tpu.memory_space<vmem>>, vector<1x16xf32>,
        %swap3A_168 = vector.shape_cast %swap3A_167 : vector<1x16xf32> to vector<16xf32>
        %swap3A_169 = vector.shape_cast %max3A_164 : vector<16xf32> to vector<1x16xf32>
        tpu.vector_store %arg10[%swap3A_165, %swap3A_166], %swap3A_169 {strides = array<i32>} : memref<80x128xf32, #tpu.memory_space<vmem>>, vector<1x16xf32>,
        %get3A_170 = arith.index_cast %scan3A_53 : i32 to index
        %get3A_171 = arith.constant 112 : index
        %get3A_172 = tpu.vector_load %arg9[%get3A_170, %get3A_171] {strides = array<i32>} : memref<80x128xf32, #tpu.memory_space<vmem>>, vector<1x16xf32>,
        %get3A_173 = vector.shape_cast %get3A_172 : vector<1x16xf32> to vector<16xf32>
        %get3A_174 = arith.index_cast %scan3A_53 : i32 to index
        %get3A_175 = arith.constant 112 : index
        %get3A_176 = tpu.vector_load %arg10[%get3A_174, %get3A_175] {strides = array<i32>} : memref<80x128xf32, #tpu.memory_space<vmem>>, vector<1x16xf32>,
        %get3A_177 = vector.shape_cast %get3A_176 : vector<1x16xf32> to vector<16xf32>
        %add3A_178 = arith.addf %get3A_173, %get3A_177 : vector<16xf32>
        %max3A_179 = arith.constant 0.000000e+00 : f32
        %max3A_180 = vector.broadcast %max3A_179 : f32 to vector<16xf32>
        %max3A_181 = arith.maximumf %add3A_178, %max3A_180 : vector<16xf32>
        %swap3A_182 = arith.index_cast %scan3A_53 : i32 to index
        %swap3A_183 = arith.constant 112 : index
        %swap3A_184 = tpu.vector_load %arg10[%swap3A_182, %swap3A_183] {strides = array<i32>} : memref<80x128xf32, #tpu.memory_space<vmem>>, vector<1x16xf32>,
        %swap3A_185 = vector.shape_cast %swap3A_184 : vector<1x16xf32> to vector<16xf32>
        %swap3A_186 = vector.shape_cast %max3A_181 : vector<16xf32> to vector<1x16xf32>
        tpu.vector_store %arg10[%swap3A_182, %swap3A_183], %swap3A_186 {strides = array<i32>} : memref<80x128xf32, #tpu.memory_space<vmem>>, vector<1x16xf32>,
      }
      %scan3A_52 = arith.constant 80 : i32
      "tpu.region"() ({
        %run_scoped3A = tpu.sem_alloc : memref<!tpu.dma_semaphore, #tpu.memory_space<semaphore_mem>>
        %dma_start3A_53 = arith.constant 0 : i32
        %dma_start3A_54 = arith.constant 0 : i32
        %dma_start3A_55 = tpu.memref_slice %arg12[%dma_start3A_53, %dma_start3A_54] : memref<10000x128xf32, #tpu.memory_space<vmem_shared>> -> memref<10000x128xf32, #tpu.memory_space<vmem_shared>>
        tpu.enqueue_indirect_dma source(%arg10 : memref<80x128xf32, #tpu.memory_space<vmem>>) target(%dma_start3A_55 : memref<10000x128xf32, #tpu.memory_space<vmem_shared>>) offsets(%arg8 : memref<80xi32, #tpu.memory_space<vmem>>) semaphore(%run_scoped3A : memref<!tpu.dma_semaphore, #tpu.memory_space<semaphore_mem>>) {add = true}
        %dma_wait3A_56 = arith.constant 0 : i32
        %dma_wait3A_57 = arith.constant 0 : i32
        %dma_wait3A_58 = tpu.memref_slice %arg12[%dma_wait3A_56, %dma_wait3A_57] : memref<10000x128xf32, #tpu.memory_space<vmem_shared>> -> memref<10000x128xf32, #tpu.memory_space<vmem_shared>>
        tpu.wait_indirect_dma semaphore(%run_scoped3A : memref<!tpu.dma_semaphore, #tpu.memory_space<semaphore_mem>>) src(%arg10 : memref<80x128xf32, #tpu.memory_space<vmem>>) dst(%dma_wait3A_58 : memref<10000x128xf32, #tpu.memory_space<vmem_shared>>)
        tpu.yield
      }) : () -> ()
    }
    %scan3A_28 = arith.constant 125 : i32
    %barrier3A_29 = arith.constant 0 : index
    tpu.barrier barrier_id(%barrier3A_29)
    %mul3A_30 = arith.constant 624 : i32
    %mul3A_31 = arith.muli %arg1, %mul3A_30 : i32
    %mul3A_32 = arith.constant 624 : i32
    %mul3A_33 = arith.muli %arg1, %mul3A_32 : i32
    "tpu.region"() ({
      %run_scoped3A = tpu.sem_alloc : memref<!tpu.dma_semaphore, #tpu.memory_space<semaphore_mem>>
      %dma_start3A = arith.constant 0 : i32
      %dma_start3A_39 = tpu.memref_slice %arg6[%arg0, %mul3A_33, %dma_start3A] : memref<2x10000x128xf32, #tpu.memory_space<hbm>> -> memref<1x624x128xf32, #tpu.memory_space<hbm>>
      %dma_start3A_40 = tpu.memref_squeeze %dma_start3A_39 : memref<1x624x128xf32, #tpu.memory_space<hbm>> -> memref<624x128xf32, #tpu.memory_space<hbm>>
      %dma_start3A_41 = arith.constant 0 : i32
      %dma_start3A_42 = tpu.memref_slice %arg12[%mul3A_31, %dma_start3A_41] : memref<10000x128xf32, #tpu.memory_space<vmem_shared>> -> memref<624x128xf32, #tpu.memory_space<vmem_shared>>
      tpu.enqueue_dma source(%dma_start3A_42 : memref<624x128xf32, #tpu.memory_space<vmem_shared>>) target(%dma_start3A_40 : memref<624x128xf32, #tpu.memory_space<hbm>>) target_semaphore(%run_scoped3A : memref<!tpu.dma_semaphore, #tpu.memory_space<semaphore_mem>>)
      %dma_wait3A = arith.constant 0 : i32
      %dma_wait3A_43 = tpu.memref_slice %arg6[%arg0, %mul3A_33, %dma_wait3A] : memref<2x10000x128xf32, #tpu.memory_space<hbm>> -> memref<1x624x128xf32, #tpu.memory_space<hbm>>
      %dma_wait3A_44 = tpu.memref_squeeze %dma_wait3A_43 : memref<1x624x128xf32, #tpu.memory_space<hbm>> -> memref<624x128xf32, #tpu.memory_space<hbm>>
      %dma_wait3A_45 = arith.constant 0 : i32
      %dma_wait3A_46 = tpu.memref_slice %arg12[%mul3A_31, %dma_wait3A_45] : memref<10000x128xf32, #tpu.memory_space<vmem_shared>> -> memref<624x128xf32, #tpu.memory_space<vmem_shared>>
      tpu.wait_dma2 semaphore(%run_scoped3A : memref<!tpu.dma_semaphore, #tpu.memory_space<semaphore_mem>>) src(%dma_wait3A_46 : memref<624x128xf32, #tpu.memory_space<vmem_shared>>) dst(%dma_wait3A_44 : memref<624x128xf32, #tpu.memory_space<hbm>>)
      tpu.yield
    }) : () -> ()
    %eq3A_34 = arith.constant 0 : i32
    %eq3A_35 = arith.cmpi eq, %arg1, %eq3A_34 : i32
    %convert_element_type3A_36 = arith.extui %eq3A_35 : i1 to i32
    %cond3A_37 = arith.constant 0 : i32
    %cond3A_38 = arith.cmpi ne, %convert_element_type3A_36, %cond3A_37 : i32
    scf.if %cond3A_38 {
      "tpu.region"() ({
        %run_scoped3A = tpu.sem_alloc : memref<!tpu.dma_semaphore, #tpu.memory_space<semaphore_mem>>
        %dma_start3A = arith.constant 9984 : i32
        %dma_start3A_39 = arith.constant 0 : i32
        %dma_start3A_40 = tpu.memref_slice %arg6[%arg0, %dma_start3A, %dma_start3A_39] : memref<2x10000x128xf32, #tpu.memory_space<hbm>> -> memref<1x16x128xf32, #tpu.memory_space<hbm>>
        %dma_start3A_41 = tpu.memref_squeeze %dma_start3A_40 : memref<1x16x128xf32, #tpu.memory_space<hbm>> -> memref<16x128xf32, #tpu.memory_space<hbm>>
        %dma_start3A_42 = arith.constant 9984 : i32
        %dma_start3A_43 = arith.constant 0 : i32
        %dma_start3A_44 = tpu.memref_slice %arg12[%dma_start3A_42, %dma_start3A_43] : memref<10000x128xf32, #tpu.memory_space<vmem_shared>> -> memref<16x128xf32, #tpu.memory_space<vmem_shared>>
        tpu.enqueue_dma source(%dma_start3A_44 : memref<16x128xf32, #tpu.memory_space<vmem_shared>>) target(%dma_start3A_41 : memref<16x128xf32, #tpu.memory_space<hbm>>) target_semaphore(%run_scoped3A : memref<!tpu.dma_semaphore, #tpu.memory_space<semaphore_mem>>)
        %dma_wait3A = arith.constant 9984 : i32
        %dma_wait3A_45 = arith.constant 0 : i32
        %dma_wait3A_46 = tpu.memref_slice %arg6[%arg0, %dma_wait3A, %dma_wait3A_45] : memref<2x10000x128xf32, #tpu.memory_space<hbm>> -> memref<1x16x128xf32, #tpu.memory_space<hbm>>
        %dma_wait3A_47 = tpu.memref_squeeze %dma_wait3A_46 : memref<1x16x128xf32, #tpu.memory_space<hbm>> -> memref<16x128xf32, #tpu.memory_space<hbm>>
        %dma_wait3A_48 = arith.constant 9984 : i32
        %dma_wait3A_49 = arith.constant 0 : i32
        %dma_wait3A_50 = tpu.memref_slice %arg12[%dma_wait3A_48, %dma_wait3A_49] : memref<10000x128xf32, #tpu.memory_space<vmem_shared>> -> memref<16x128xf32, #tpu.memory_space<vmem_shared>>
        tpu.wait_dma2 semaphore(%run_scoped3A : memref<!tpu.dma_semaphore, #tpu.memory_space<semaphore_mem>>) src(%dma_wait3A_50 : memref<16x128xf32, #tpu.memory_space<vmem_shared>>) dst(%dma_wait3A_47 : memref<16x128xf32, #tpu.memory_space<hbm>>)
        tpu.yield
      }) : () -> ()
    } else {
    }
    return
  }
}

#map = affine_map<(d0, d1) -> (0, 0)>
#map1 = affine_map<(d0, d1) -> (0)>
#map2 = affine_map<(d0, d1) -> (0, 0, 0)>
module attributes {stable_mosaic.version = 14 : i64} {
  func.func @k(%arg0: i32, %arg1: i32, %arg2: memref<10000x128xf32, #tpu.memory_space<hbm>>, %arg3: memref<320000xi32, #tpu.memory_space<hbm>>, %arg4: memref<320000xi32, #tpu.memory_space<hbm>>, %arg5: memref<320000x128xf32, #tpu.memory_space<hbm>>, %arg6: memref<2x10000x128xf32, #tpu.memory_space<hbm>>, %arg7: memref<80xi32, #tpu.memory_space<vmem>>, %arg8: memref<80xi32, #tpu.memory_space<vmem>>, %arg9: memref<80x128xf32, #tpu.memory_space<vmem>>, %arg10: memref<80x128xf32, #tpu.memory_space<vmem>>, %arg11: memref<208x128xf32, #tpu.memory_space<vmem>>, %arg12: memref<10000x128xf32, #tpu.memory_space<vmem_shared>>, %arg13: memref<!tpu.dma_semaphore, #tpu.memory_space<semaphore_mem>>) attributes {dimension_semantics = [#tpu.dimension_semantics<core_parallel>, #tpu.dimension_semantics<subcore_parallel>], iteration_bounds = array<i64: 2, 16>, scalar_prefetch = 0 : i64, scratch_operands = 7 : i64, tpu.core_type = #tpu.core_type<sc_vector_subcore>, window_params = [{transform_indices = #map}, {transform_indices = #map1}, {transform_indices = #map1}, {transform_indices = #map}, {transform_indices = #map2}]} {
    %broadcast_in_dim3A = arith.constant 0.000000e+00 : f32
    %broadcast_in_dim3A_0 = vector.broadcast %broadcast_in_dim3A : f32 to vector<16xf32>
    %scan3A = arith.constant 0 : i32
    %scan3A_1 = arith.constant 0 : i32
    %scan3A_2 = arith.constant 208 : i32
    %scan3A_3 = arith.addi %scan3A_1, %scan3A_2 : i32
    %scan3A_4 = arith.constant 1 : i32
    scf.for %scan3A_39 = %scan3A_1 to %scan3A_3 step %scan3A_4  : i32 {
      %swap3A = arith.index_cast %scan3A_39 : i32 to index
      %swap3A_40 = arith.constant 0 : index
      %swap3A_41 = tpu.vector_load %arg11[%swap3A, %swap3A_40] {strides = array<i32>} : memref<208x128xf32, #tpu.memory_space<vmem>>, vector<1x16xf32>,
      %swap3A_42 = vector.shape_cast %swap3A_41 : vector<1x16xf32> to vector<16xf32>
      %swap3A_43 = vector.shape_cast %broadcast_in_dim3A_0 : vector<16xf32> to vector<1x16xf32>
      tpu.vector_store %arg11[%swap3A, %swap3A_40], %swap3A_43 {strides = array<i32>} : memref<208x128xf32, #tpu.memory_space<vmem>>, vector<1x16xf32>,
      %swap3A_44 = arith.index_cast %scan3A_39 : i32 to index
      %swap3A_45 = arith.constant 16 : index
      %swap3A_46 = tpu.vector_load %arg11[%swap3A_44, %swap3A_45] {strides = array<i32>} : memref<208x128xf32, #tpu.memory_space<vmem>>, vector<1x16xf32>,
      %swap3A_47 = vector.shape_cast %swap3A_46 : vector<1x16xf32> to vector<16xf32>
      %swap3A_48 = vector.shape_cast %broadcast_in_dim3A_0 : vector<16xf32> to vector<1x16xf32>
      tpu.vector_store %arg11[%swap3A_44, %swap3A_45], %swap3A_48 {strides = array<i32>} : memref<208x128xf32, #tpu.memory_space<vmem>>, vector<1x16xf32>,
      %swap3A_49 = arith.index_cast %scan3A_39 : i32 to index
      %swap3A_50 = arith.constant 32 : index
      %swap3A_51 = tpu.vector_load %arg11[%swap3A_49, %swap3A_50] {strides = array<i32>} : memref<208x128xf32, #tpu.memory_space<vmem>>, vector<1x16xf32>,
      %swap3A_52 = vector.shape_cast %swap3A_51 : vector<1x16xf32> to vector<16xf32>
      %swap3A_53 = vector.shape_cast %broadcast_in_dim3A_0 : vector<16xf32> to vector<1x16xf32>
      tpu.vector_store %arg11[%swap3A_49, %swap3A_50], %swap3A_53 {strides = array<i32>} : memref<208x128xf32, #tpu.memory_space<vmem>>, vector<1x16xf32>,
      %swap3A_54 = arith.index_cast %scan3A_39 : i32 to index
      %swap3A_55 = arith.constant 48 : index
      %swap3A_56 = tpu.vector_load %arg11[%swap3A_54, %swap3A_55] {strides = array<i32>} : memref<208x128xf32, #tpu.memory_space<vmem>>, vector<1x16xf32>,
      %swap3A_57 = vector.shape_cast %swap3A_56 : vector<1x16xf32> to vector<16xf32>
      %swap3A_58 = vector.shape_cast %broadcast_in_dim3A_0 : vector<16xf32> to vector<1x16xf32>
      tpu.vector_store %arg11[%swap3A_54, %swap3A_55], %swap3A_58 {strides = array<i32>} : memref<208x128xf32, #tpu.memory_space<vmem>>, vector<1x16xf32>,
      %swap3A_59 = arith.index_cast %scan3A_39 : i32 to index
      %swap3A_60 = arith.constant 64 : index
      %swap3A_61 = tpu.vector_load %arg11[%swap3A_59, %swap3A_60] {strides = array<i32>} : memref<208x128xf32, #tpu.memory_space<vmem>>, vector<1x16xf32>,
      %swap3A_62 = vector.shape_cast %swap3A_61 : vector<1x16xf32> to vector<16xf32>
      %swap3A_63 = vector.shape_cast %broadcast_in_dim3A_0 : vector<16xf32> to vector<1x16xf32>
      tpu.vector_store %arg11[%swap3A_59, %swap3A_60], %swap3A_63 {strides = array<i32>} : memref<208x128xf32, #tpu.memory_space<vmem>>, vector<1x16xf32>,
      %swap3A_64 = arith.index_cast %scan3A_39 : i32 to index
      %swap3A_65 = arith.constant 80 : index
      %swap3A_66 = tpu.vector_load %arg11[%swap3A_64, %swap3A_65] {strides = array<i32>} : memref<208x128xf32, #tpu.memory_space<vmem>>, vector<1x16xf32>,
      %swap3A_67 = vector.shape_cast %swap3A_66 : vector<1x16xf32> to vector<16xf32>
      %swap3A_68 = vector.shape_cast %broadcast_in_dim3A_0 : vector<16xf32> to vector<1x16xf32>
      tpu.vector_store %arg11[%swap3A_64, %swap3A_65], %swap3A_68 {strides = array<i32>} : memref<208x128xf32, #tpu.memory_space<vmem>>, vector<1x16xf32>,
      %swap3A_69 = arith.index_cast %scan3A_39 : i32 to index
      %swap3A_70 = arith.constant 96 : index
      %swap3A_71 = tpu.vector_load %arg11[%swap3A_69, %swap3A_70] {strides = array<i32>} : memref<208x128xf32, #tpu.memory_space<vmem>>, vector<1x16xf32>,
      %swap3A_72 = vector.shape_cast %swap3A_71 : vector<1x16xf32> to vector<16xf32>
      %swap3A_73 = vector.shape_cast %broadcast_in_dim3A_0 : vector<16xf32> to vector<1x16xf32>
      tpu.vector_store %arg11[%swap3A_69, %swap3A_70], %swap3A_73 {strides = array<i32>} : memref<208x128xf32, #tpu.memory_space<vmem>>, vector<1x16xf32>,
      %swap3A_74 = arith.index_cast %scan3A_39 : i32 to index
      %swap3A_75 = arith.constant 112 : index
      %swap3A_76 = tpu.vector_load %arg11[%swap3A_74, %swap3A_75] {strides = array<i32>} : memref<208x128xf32, #tpu.memory_space<vmem>>, vector<1x16xf32>,
      %swap3A_77 = vector.shape_cast %swap3A_76 : vector<1x16xf32> to vector<16xf32>
      %swap3A_78 = vector.shape_cast %broadcast_in_dim3A_0 : vector<16xf32> to vector<1x16xf32>
      tpu.vector_store %arg11[%swap3A_74, %swap3A_75], %swap3A_78 {strides = array<i32>} : memref<208x128xf32, #tpu.memory_space<vmem>>, vector<1x16xf32>,
    }
    %scan3A_5 = arith.constant 208 : i32
    %mul3A = arith.constant 624 : i32
    %mul3A_6 = arith.muli %arg1, %mul3A : i32
    %add3A = arith.constant 0 : i32
    %add3A_7 = arith.addi %mul3A_6, %add3A : i32
    "tpu.region"() ({
      %run_scoped3A = tpu.sem_alloc : memref<!tpu.dma_semaphore, #tpu.memory_space<semaphore_mem>>
      %dma_start3A = arith.constant 0 : i32
      %dma_start3A_39 = tpu.memref_slice %arg12[%add3A_7, %dma_start3A] : memref<10000x128xf32, #tpu.memory_space<vmem_shared>> -> memref<208x128xf32, #tpu.memory_space<vmem_shared>>
      %dma_start3A_40 = arith.constant 0 : i32
      %dma_start3A_41 = tpu.memref_slice %arg12[%add3A_7, %dma_start3A_40] : memref<10000x128xf32, #tpu.memory_space<vmem_shared>> -> memref<208x128xf32, #tpu.memory_space<vmem_shared>>
      tpu.enqueue_dma source(%arg11 : memref<208x128xf32, #tpu.memory_space<vmem>>) target(%dma_start3A_41 : memref<208x128xf32, #tpu.memory_space<vmem_shared>>) target_semaphore(%run_scoped3A : memref<!tpu.dma_semaphore, #tpu.memory_space<semaphore_mem>>)
      %dma_wait3A = arith.constant 0 : i32
      %dma_wait3A_42 = tpu.memref_slice %arg12[%add3A_7, %dma_wait3A] : memref<10000x128xf32, #tpu.memory_space<vmem_shared>> -> memref<208x128xf32, #tpu.memory_space<vmem_shared>>
      %dma_wait3A_43 = arith.constant 0 : i32
      %dma_wait3A_44 = tpu.memref_slice %arg12[%add3A_7, %dma_wait3A_43] : memref<10000x128xf32, #tpu.memory_space<vmem_shared>> -> memref<208x128xf32, #tpu.memory_space<vmem_shared>>
      tpu.wait_dma2 semaphore(%run_scoped3A : memref<!tpu.dma_semaphore, #tpu.memory_space<semaphore_mem>>) src(%arg11 : memref<208x128xf32, #tpu.memory_space<vmem>>) dst(%dma_wait3A_44 : memref<208x128xf32, #tpu.memory_space<vmem_shared>>)
      tpu.yield
    }) : () -> ()
    %mul3A_8 = arith.constant 624 : i32
    %mul3A_9 = arith.muli %arg1, %mul3A_8 : i32
    %add3A_10 = arith.constant 208 : i32
    %add3A_11 = arith.addi %mul3A_9, %add3A_10 : i32
    "tpu.region"() ({
      %run_scoped3A = tpu.sem_alloc : memref<!tpu.dma_semaphore, #tpu.memory_space<semaphore_mem>>
      %dma_start3A = arith.constant 0 : i32
      %dma_start3A_39 = tpu.memref_slice %arg12[%add3A_11, %dma_start3A] : memref<10000x128xf32, #tpu.memory_space<vmem_shared>> -> memref<208x128xf32, #tpu.memory_space<vmem_shared>>
      %dma_start3A_40 = arith.constant 0 : i32
      %dma_start3A_41 = tpu.memref_slice %arg12[%add3A_11, %dma_start3A_40] : memref<10000x128xf32, #tpu.memory_space<vmem_shared>> -> memref<208x128xf32, #tpu.memory_space<vmem_shared>>
      tpu.enqueue_dma source(%arg11 : memref<208x128xf32, #tpu.memory_space<vmem>>) target(%dma_start3A_41 : memref<208x128xf32, #tpu.memory_space<vmem_shared>>) target_semaphore(%run_scoped3A : memref<!tpu.dma_semaphore, #tpu.memory_space<semaphore_mem>>)
      %dma_wait3A = arith.constant 0 : i32
      %dma_wait3A_42 = tpu.memref_slice %arg12[%add3A_11, %dma_wait3A] : memref<10000x128xf32, #tpu.memory_space<vmem_shared>> -> memref<208x128xf32, #tpu.memory_space<vmem_shared>>
      %dma_wait3A_43 = arith.constant 0 : i32
      %dma_wait3A_44 = tpu.memref_slice %arg12[%add3A_11, %dma_wait3A_43] : memref<10000x128xf32, #tpu.memory_space<vmem_shared>> -> memref<208x128xf32, #tpu.memory_space<vmem_shared>>
      tpu.wait_dma2 semaphore(%run_scoped3A : memref<!tpu.dma_semaphore, #tpu.memory_space<semaphore_mem>>) src(%arg11 : memref<208x128xf32, #tpu.memory_space<vmem>>) dst(%dma_wait3A_44 : memref<208x128xf32, #tpu.memory_space<vmem_shared>>)
      tpu.yield
    }) : () -> ()
    %mul3A_12 = arith.constant 624 : i32
    %mul3A_13 = arith.muli %arg1, %mul3A_12 : i32
    %add3A_14 = arith.constant 416 : i32
    %add3A_15 = arith.addi %mul3A_13, %add3A_14 : i32
    "tpu.region"() ({
      %run_scoped3A = tpu.sem_alloc : memref<!tpu.dma_semaphore, #tpu.memory_space<semaphore_mem>>
      %dma_start3A = arith.constant 0 : i32
      %dma_start3A_39 = tpu.memref_slice %arg12[%add3A_15, %dma_start3A] : memref<10000x128xf32, #tpu.memory_space<vmem_shared>> -> memref<208x128xf32, #tpu.memory_space<vmem_shared>>
      %dma_start3A_40 = arith.constant 0 : i32
      %dma_start3A_41 = tpu.memref_slice %arg12[%add3A_15, %dma_start3A_40] : memref<10000x128xf32, #tpu.memory_space<vmem_shared>> -> memref<208x128xf32, #tpu.memory_space<vmem_shared>>
      tpu.enqueue_dma source(%arg11 : memref<208x128xf32, #tpu.memory_space<vmem>>) target(%dma_start3A_41 : memref<208x128xf32, #tpu.memory_space<vmem_shared>>) target_semaphore(%run_scoped3A : memref<!tpu.dma_semaphore, #tpu.memory_space<semaphore_mem>>)
      %dma_wait3A = arith.constant 0 : i32
      %dma_wait3A_42 = tpu.memref_slice %arg12[%add3A_15, %dma_wait3A] : memref<10000x128xf32, #tpu.memory_space<vmem_shared>> -> memref<208x128xf32, #tpu.memory_space<vmem_shared>>
      %dma_wait3A_43 = arith.constant 0 : i32
      %dma_wait3A_44 = tpu.memref_slice %arg12[%add3A_15, %dma_wait3A_43] : memref<10000x128xf32, #tpu.memory_space<vmem_shared>> -> memref<208x128xf32, #tpu.memory_space<vmem_shared>>
      tpu.wait_dma2 semaphore(%run_scoped3A : memref<!tpu.dma_semaphore, #tpu.memory_space<semaphore_mem>>) src(%arg11 : memref<208x128xf32, #tpu.memory_space<vmem>>) dst(%dma_wait3A_44 : memref<208x128xf32, #tpu.memory_space<vmem_shared>>)
      tpu.yield
    }) : () -> ()
    %eq3A = arith.constant 0 : i32
    %eq3A_16 = arith.cmpi eq, %arg1, %eq3A : i32
    %convert_element_type3A = arith.extui %eq3A_16 : i1 to i32
    %cond3A = arith.constant 0 : i32
    %cond3A_17 = arith.cmpi ne, %convert_element_type3A, %cond3A : i32
    scf.if %cond3A_17 {
      "tpu.region"() ({
        %run_scoped3A = tpu.sem_alloc : memref<!tpu.dma_semaphore, #tpu.memory_space<semaphore_mem>>
        %dma_start3A = arith.constant 0 : i32
        %dma_start3A_39 = arith.constant 0 : i32
        %dma_start3A_40 = tpu.memref_slice %arg11[%dma_start3A, %dma_start3A_39] : memref<208x128xf32, #tpu.memory_space<vmem>> -> memref<16x128xf32, #tpu.memory_space<vmem>>
        %dma_start3A_41 = arith.constant 9984 : i32
        %dma_start3A_42 = arith.constant 0 : i32
        %dma_start3A_43 = tpu.memref_slice %arg12[%dma_start3A_41, %dma_start3A_42] : memref<10000x128xf32, #tpu.memory_space<vmem_shared>> -> memref<16x128xf32, #tpu.memory_space<vmem_shared>>
        %dma_start3A_44 = arith.constant 9984 : i32
        %dma_start3A_45 = arith.constant 0 : i32
        %dma_start3A_46 = tpu.memref_slice %arg12[%dma_start3A_44, %dma_start3A_45] : memref<10000x128xf32, #tpu.memory_space<vmem_shared>> -> memref<16x128xf32, #tpu.memory_space<vmem_shared>>
        %dma_start3A_47 = arith.constant 0 : i32
        %dma_start3A_48 = arith.constant 0 : i32
        %dma_start3A_49 = tpu.memref_slice %arg11[%dma_start3A_47, %dma_start3A_48] : memref<208x128xf32, #tpu.memory_space<vmem>> -> memref<16x128xf32, #tpu.memory_space<vmem>>
        tpu.enqueue_dma source(%dma_start3A_49 : memref<16x128xf32, #tpu.memory_space<vmem>>) target(%dma_start3A_46 : memref<16x128xf32, #tpu.memory_space<vmem_shared>>) target_semaphore(%run_scoped3A : memref<!tpu.dma_semaphore, #tpu.memory_space<semaphore_mem>>)
        %dma_wait3A = arith.constant 0 : i32
        %dma_wait3A_50 = arith.constant 0 : i32
        %dma_wait3A_51 = tpu.memref_slice %arg11[%dma_wait3A, %dma_wait3A_50] : memref<208x128xf32, #tpu.memory_space<vmem>> -> memref<16x128xf32, #tpu.memory_space<vmem>>
        %dma_wait3A_52 = arith.constant 9984 : i32
        %dma_wait3A_53 = arith.constant 0 : i32
        %dma_wait3A_54 = tpu.memref_slice %arg12[%dma_wait3A_52, %dma_wait3A_53] : memref<10000x128xf32, #tpu.memory_space<vmem_shared>> -> memref<16x128xf32, #tpu.memory_space<vmem_shared>>
        %dma_wait3A_55 = arith.constant 9984 : i32
        %dma_wait3A_56 = arith.constant 0 : i32
        %dma_wait3A_57 = tpu.memref_slice %arg12[%dma_wait3A_55, %dma_wait3A_56] : memref<10000x128xf32, #tpu.memory_space<vmem_shared>> -> memref<16x128xf32, #tpu.memory_space<vmem_shared>>
        %dma_wait3A_58 = arith.constant 0 : i32
        %dma_wait3A_59 = arith.constant 0 : i32
        %dma_wait3A_60 = tpu.memref_slice %arg11[%dma_wait3A_58, %dma_wait3A_59] : memref<208x128xf32, #tpu.memory_space<vmem>> -> memref<16x128xf32, #tpu.memory_space<vmem>>
        tpu.wait_dma2 semaphore(%run_scoped3A : memref<!tpu.dma_semaphore, #tpu.memory_space<semaphore_mem>>) src(%dma_wait3A_60 : memref<16x128xf32, #tpu.memory_space<vmem>>) dst(%dma_wait3A_57 : memref<16x128xf32, #tpu.memory_space<vmem_shared>>)
        tpu.yield
      }) : () -> ()
    } else {
    }
    %barrier3A = arith.constant 0 : index
    tpu.barrier barrier_id(%barrier3A)
    %mul3A_18 = arith.constant 16 : i32
    %mul3A_19 = arith.muli %arg0, %mul3A_18 : i32
    %add3A_20 = arith.addi %mul3A_19, %arg1 : i32
    %mul3A_21 = arith.constant 10000 : i32
    %mul3A_22 = arith.muli %add3A_20, %mul3A_21 : i32
    %scan3A_23 = arith.constant 0 : i32
    %scan3A_24 = arith.constant 0 : i32
    %scan3A_25 = arith.constant 125 : i32
    %scan3A_26 = arith.addi %scan3A_24, %scan3A_25 : i32
    %scan3A_27 = arith.constant 1 : i32
    scf.for %scan3A_39 = %scan3A_24 to %scan3A_26 step %scan3A_27  : i32 {
      %mul3A_40 = arith.constant 80 : i32
      %mul3A_41 = arith.muli %scan3A_39, %mul3A_40 : i32
      %add3A_42 = arith.addi %mul3A_22, %mul3A_41 : i32
      "tpu.region"() ({
        %run_scoped3A = tpu.sem_alloc : memref<!tpu.dma_semaphore, #tpu.memory_space<semaphore_mem>>
        %dma_start3A_53 = tpu.memref_slice %arg3[%add3A_42] : memref<320000xi32, #tpu.memory_space<hbm>> -> memref<80xi32, #tpu.memory_space<hbm>>
        %dma_start3A_54 = tpu.memref_slice %arg3[%add3A_42] : memref<320000xi32, #tpu.memory_space<hbm>> -> memref<80xi32, #tpu.memory_space<hbm>>
        tpu.enqueue_dma source(%dma_start3A_54 : memref<80xi32, #tpu.memory_space<hbm>>) target(%arg7 : memref<80xi32, #tpu.memory_space<vmem>>) target_semaphore(%run_scoped3A : memref<!tpu.dma_semaphore, #tpu.memory_space<semaphore_mem>>)
        %dma_wait3A_55 = tpu.memref_slice %arg3[%add3A_42] : memref<320000xi32, #tpu.memory_space<hbm>> -> memref<80xi32, #tpu.memory_space<hbm>>
        %dma_wait3A_56 = tpu.memref_slice %arg3[%add3A_42] : memref<320000xi32, #tpu.memory_space<hbm>> -> memref<80xi32, #tpu.memory_space<hbm>>
        tpu.wait_dma2 semaphore(%run_scoped3A : memref<!tpu.dma_semaphore, #tpu.memory_space<semaphore_mem>>) src(%dma_wait3A_56 : memref<80xi32, #tpu.memory_space<hbm>>) dst(%arg7 : memref<80xi32, #tpu.memory_space<vmem>>)
        tpu.yield
      }) : () -> ()
      "tpu.region"() ({
        %run_scoped3A = tpu.sem_alloc : memref<!tpu.dma_semaphore, #tpu.memory_space<semaphore_mem>>
        %dma_start3A_53 = tpu.memref_slice %arg4[%add3A_42] : memref<320000xi32, #tpu.memory_space<hbm>> -> memref<80xi32, #tpu.memory_space<hbm>>
        %dma_start3A_54 = tpu.memref_slice %arg4[%add3A_42] : memref<320000xi32, #tpu.memory_space<hbm>> -> memref<80xi32, #tpu.memory_space<hbm>>
        tpu.enqueue_dma source(%dma_start3A_54 : memref<80xi32, #tpu.memory_space<hbm>>) target(%arg8 : memref<80xi32, #tpu.memory_space<vmem>>) target_semaphore(%run_scoped3A : memref<!tpu.dma_semaphore, #tpu.memory_space<semaphore_mem>>)
        %dma_wait3A_55 = tpu.memref_slice %arg4[%add3A_42] : memref<320000xi32, #tpu.memory_space<hbm>> -> memref<80xi32, #tpu.memory_space<hbm>>
        %dma_wait3A_56 = tpu.memref_slice %arg4[%add3A_42] : memref<320000xi32, #tpu.memory_space<hbm>> -> memref<80xi32, #tpu.memory_space<hbm>>
        tpu.wait_dma2 semaphore(%run_scoped3A : memref<!tpu.dma_semaphore, #tpu.memory_space<semaphore_mem>>) src(%dma_wait3A_56 : memref<80xi32, #tpu.memory_space<hbm>>) dst(%arg8 : memref<80xi32, #tpu.memory_space<vmem>>)
        tpu.yield
      }) : () -> ()
      %dma_start3A = arith.constant 0 : i32
      %dma_start3A_43 = arith.constant 0 : i32
      %dma_start3A_44 = tpu.memref_slice %arg2[%dma_start3A, %dma_start3A_43] : memref<10000x128xf32, #tpu.memory_space<hbm>> -> memref<10000x128xf32, #tpu.memory_space<hbm>>
      tpu.enqueue_indirect_dma source(%dma_start3A_44 : memref<10000x128xf32, #tpu.memory_space<hbm>>) target(%arg9 : memref<80x128xf32, #tpu.memory_space<vmem>>) offsets(%arg7 : memref<80xi32, #tpu.memory_space<vmem>>) semaphore(%arg13 : memref<!tpu.dma_semaphore, #tpu.memory_space<semaphore_mem>>)
      %dma_wait3A = arith.constant 0 : i32
      %dma_wait3A_45 = arith.constant 0 : i32
      %dma_wait3A_46 = tpu.memref_slice %arg2[%dma_wait3A, %dma_wait3A_45] : memref<10000x128xf32, #tpu.memory_space<hbm>> -> memref<10000x128xf32, #tpu.memory_space<hbm>>
      tpu.wait_indirect_dma semaphore(%arg13 : memref<!tpu.dma_semaphore, #tpu.memory_space<semaphore_mem>>) src(%dma_wait3A_46 : memref<10000x128xf32, #tpu.memory_space<hbm>>) dst(%arg9 : memref<80x128xf32, #tpu.memory_space<vmem>>)
      "tpu.region"() ({
        %run_scoped3A = tpu.sem_alloc : memref<!tpu.dma_semaphore, #tpu.memory_space<semaphore_mem>>
        %dma_start3A_53 = arith.constant 0 : i32
        %dma_start3A_54 = tpu.memref_slice %arg5[%add3A_42, %dma_start3A_53] : memref<320000x128xf32, #tpu.memory_space<hbm>> -> memref<80x128xf32, #tpu.memory_space<hbm>>
        %dma_start3A_55 = arith.constant 0 : i32
        %dma_start3A_56 = tpu.memref_slice %arg5[%add3A_42, %dma_start3A_55] : memref<320000x128xf32, #tpu.memory_space<hbm>> -> memref<80x128xf32, #tpu.memory_space<hbm>>
        tpu.enqueue_dma source(%dma_start3A_56 : memref<80x128xf32, #tpu.memory_space<hbm>>) target(%arg10 : memref<80x128xf32, #tpu.memory_space<vmem>>) target_semaphore(%run_scoped3A : memref<!tpu.dma_semaphore, #tpu.memory_space<semaphore_mem>>)
        %dma_wait3A_57 = arith.constant 0 : i32
        %dma_wait3A_58 = tpu.memref_slice %arg5[%add3A_42, %dma_wait3A_57] : memref<320000x128xf32, #tpu.memory_space<hbm>> -> memref<80x128xf32, #tpu.memory_space<hbm>>
        %dma_wait3A_59 = arith.constant 0 : i32
        %dma_wait3A_60 = tpu.memref_slice %arg5[%add3A_42, %dma_wait3A_59] : memref<320000x128xf32, #tpu.memory_space<hbm>> -> memref<80x128xf32, #tpu.memory_space<hbm>>
        tpu.wait_dma2 semaphore(%run_scoped3A : memref<!tpu.dma_semaphore, #tpu.memory_space<semaphore_mem>>) src(%dma_wait3A_60 : memref<80x128xf32, #tpu.memory_space<hbm>>) dst(%arg10 : memref<80x128xf32, #tpu.memory_space<vmem>>)
        tpu.yield
      }) : () -> ()
      %scan3A_47 = arith.constant 0 : i32
      %scan3A_48 = arith.constant 0 : i32
      %scan3A_49 = arith.constant 80 : i32
      %scan3A_50 = arith.addi %scan3A_48, %scan3A_49 : i32
      %scan3A_51 = arith.constant 1 : i32
      scf.for %scan3A_53 = %scan3A_48 to %scan3A_50 step %scan3A_51  : i32 {
        %get3A = arith.index_cast %scan3A_53 : i32 to index
        %get3A_54 = arith.constant 0 : index
        %get3A_55 = tpu.vector_load %arg9[%get3A, %get3A_54] {strides = array<i32>} : memref<80x128xf32, #tpu.memory_space<vmem>>, vector<1x16xf32>,
        %get3A_56 = vector.shape_cast %get3A_55 : vector<1x16xf32> to vector<16xf32>
        %get3A_57 = arith.index_cast %scan3A_53 : i32 to index
        %get3A_58 = arith.constant 0 : index
        %get3A_59 = tpu.vector_load %arg10[%get3A_57, %get3A_58] {strides = array<i32>} : memref<80x128xf32, #tpu.memory_space<vmem>>, vector<1x16xf32>,
        %get3A_60 = vector.shape_cast %get3A_59 : vector<1x16xf32> to vector<16xf32>
        %add3A_61 = arith.addf %get3A_56, %get3A_60 : vector<16xf32>
        %max3A = arith.constant 0.000000e+00 : f32
        %max3A_62 = vector.broadcast %max3A : f32 to vector<16xf32>
        %max3A_63 = arith.maximumf %add3A_61, %max3A_62 : vector<16xf32>
        %swap3A = arith.index_cast %scan3A_53 : i32 to index
        %swap3A_64 = arith.constant 0 : index
        %swap3A_65 = tpu.vector_load %arg10[%swap3A, %swap3A_64] {strides = array<i32>} : memref<80x128xf32, #tpu.memory_space<vmem>>, vector<1x16xf32>,
        %swap3A_66 = vector.shape_cast %swap3A_65 : vector<1x16xf32> to vector<16xf32>
        %swap3A_67 = vector.shape_cast %max3A_63 : vector<16xf32> to vector<1x16xf32>
        tpu.vector_store %arg10[%swap3A, %swap3A_64], %swap3A_67 {strides = array<i32>} : memref<80x128xf32, #tpu.memory_space<vmem>>, vector<1x16xf32>,
        %get3A_68 = arith.index_cast %scan3A_53 : i32 to index
        %get3A_69 = arith.constant 16 : index
        %get3A_70 = tpu.vector_load %arg9[%get3A_68, %get3A_69] {strides = array<i32>} : memref<80x128xf32, #tpu.memory_space<vmem>>, vector<1x16xf32>,
        %get3A_71 = vector.shape_cast %get3A_70 : vector<1x16xf32> to vector<16xf32>
        %get3A_72 = arith.index_cast %scan3A_53 : i32 to index
        %get3A_73 = arith.constant 16 : index
        %get3A_74 = tpu.vector_load %arg10[%get3A_72, %get3A_73] {strides = array<i32>} : memref<80x128xf32, #tpu.memory_space<vmem>>, vector<1x16xf32>,
        %get3A_75 = vector.shape_cast %get3A_74 : vector<1x16xf32> to vector<16xf32>
        %add3A_76 = arith.addf %get3A_71, %get3A_75 : vector<16xf32>
        %max3A_77 = arith.constant 0.000000e+00 : f32
        %max3A_78 = vector.broadcast %max3A_77 : f32 to vector<16xf32>
        %max3A_79 = arith.maximumf %add3A_76, %max3A_78 : vector<16xf32>
        %swap3A_80 = arith.index_cast %scan3A_53 : i32 to index
        %swap3A_81 = arith.constant 16 : index
        %swap3A_82 = tpu.vector_load %arg10[%swap3A_80, %swap3A_81] {strides = array<i32>} : memref<80x128xf32, #tpu.memory_space<vmem>>, vector<1x16xf32>,
        %swap3A_83 = vector.shape_cast %swap3A_82 : vector<1x16xf32> to vector<16xf32>
        %swap3A_84 = vector.shape_cast %max3A_79 : vector<16xf32> to vector<1x16xf32>
        tpu.vector_store %arg10[%swap3A_80, %swap3A_81], %swap3A_84 {strides = array<i32>} : memref<80x128xf32, #tpu.memory_space<vmem>>, vector<1x16xf32>,
        %get3A_85 = arith.index_cast %scan3A_53 : i32 to index
        %get3A_86 = arith.constant 32 : index
        %get3A_87 = tpu.vector_load %arg9[%get3A_85, %get3A_86] {strides = array<i32>} : memref<80x128xf32, #tpu.memory_space<vmem>>, vector<1x16xf32>,
        %get3A_88 = vector.shape_cast %get3A_87 : vector<1x16xf32> to vector<16xf32>
        %get3A_89 = arith.index_cast %scan3A_53 : i32 to index
        %get3A_90 = arith.constant 32 : index
        %get3A_91 = tpu.vector_load %arg10[%get3A_89, %get3A_90] {strides = array<i32>} : memref<80x128xf32, #tpu.memory_space<vmem>>, vector<1x16xf32>,
        %get3A_92 = vector.shape_cast %get3A_91 : vector<1x16xf32> to vector<16xf32>
        %add3A_93 = arith.addf %get3A_88, %get3A_92 : vector<16xf32>
        %max3A_94 = arith.constant 0.000000e+00 : f32
        %max3A_95 = vector.broadcast %max3A_94 : f32 to vector<16xf32>
        %max3A_96 = arith.maximumf %add3A_93, %max3A_95 : vector<16xf32>
        %swap3A_97 = arith.index_cast %scan3A_53 : i32 to index
        %swap3A_98 = arith.constant 32 : index
        %swap3A_99 = tpu.vector_load %arg10[%swap3A_97, %swap3A_98] {strides = array<i32>} : memref<80x128xf32, #tpu.memory_space<vmem>>, vector<1x16xf32>,
        %swap3A_100 = vector.shape_cast %swap3A_99 : vector<1x16xf32> to vector<16xf32>
        %swap3A_101 = vector.shape_cast %max3A_96 : vector<16xf32> to vector<1x16xf32>
        tpu.vector_store %arg10[%swap3A_97, %swap3A_98], %swap3A_101 {strides = array<i32>} : memref<80x128xf32, #tpu.memory_space<vmem>>, vector<1x16xf32>,
        %get3A_102 = arith.index_cast %scan3A_53 : i32 to index
        %get3A_103 = arith.constant 48 : index
        %get3A_104 = tpu.vector_load %arg9[%get3A_102, %get3A_103] {strides = array<i32>} : memref<80x128xf32, #tpu.memory_space<vmem>>, vector<1x16xf32>,
        %get3A_105 = vector.shape_cast %get3A_104 : vector<1x16xf32> to vector<16xf32>
        %get3A_106 = arith.index_cast %scan3A_53 : i32 to index
        %get3A_107 = arith.constant 48 : index
        %get3A_108 = tpu.vector_load %arg10[%get3A_106, %get3A_107] {strides = array<i32>} : memref<80x128xf32, #tpu.memory_space<vmem>>, vector<1x16xf32>,
        %get3A_109 = vector.shape_cast %get3A_108 : vector<1x16xf32> to vector<16xf32>
        %add3A_110 = arith.addf %get3A_105, %get3A_109 : vector<16xf32>
        %max3A_111 = arith.constant 0.000000e+00 : f32
        %max3A_112 = vector.broadcast %max3A_111 : f32 to vector<16xf32>
        %max3A_113 = arith.maximumf %add3A_110, %max3A_112 : vector<16xf32>
        %swap3A_114 = arith.index_cast %scan3A_53 : i32 to index
        %swap3A_115 = arith.constant 48 : index
        %swap3A_116 = tpu.vector_load %arg10[%swap3A_114, %swap3A_115] {strides = array<i32>} : memref<80x128xf32, #tpu.memory_space<vmem>>, vector<1x16xf32>,
        %swap3A_117 = vector.shape_cast %swap3A_116 : vector<1x16xf32> to vector<16xf32>
        %swap3A_118 = vector.shape_cast %max3A_113 : vector<16xf32> to vector<1x16xf32>
        tpu.vector_store %arg10[%swap3A_114, %swap3A_115], %swap3A_118 {strides = array<i32>} : memref<80x128xf32, #tpu.memory_space<vmem>>, vector<1x16xf32>,
        %get3A_119 = arith.index_cast %scan3A_53 : i32 to index
        %get3A_120 = arith.constant 64 : index
        %get3A_121 = tpu.vector_load %arg9[%get3A_119, %get3A_120] {strides = array<i32>} : memref<80x128xf32, #tpu.memory_space<vmem>>, vector<1x16xf32>,
        %get3A_122 = vector.shape_cast %get3A_121 : vector<1x16xf32> to vector<16xf32>
        %get3A_123 = arith.index_cast %scan3A_53 : i32 to index
        %get3A_124 = arith.constant 64 : index
        %get3A_125 = tpu.vector_load %arg10[%get3A_123, %get3A_124] {strides = array<i32>} : memref<80x128xf32, #tpu.memory_space<vmem>>, vector<1x16xf32>,
        %get3A_126 = vector.shape_cast %get3A_125 : vector<1x16xf32> to vector<16xf32>
        %add3A_127 = arith.addf %get3A_122, %get3A_126 : vector<16xf32>
        %max3A_128 = arith.constant 0.000000e+00 : f32
        %max3A_129 = vector.broadcast %max3A_128 : f32 to vector<16xf32>
        %max3A_130 = arith.maximumf %add3A_127, %max3A_129 : vector<16xf32>
        %swap3A_131 = arith.index_cast %scan3A_53 : i32 to index
        %swap3A_132 = arith.constant 64 : index
        %swap3A_133 = tpu.vector_load %arg10[%swap3A_131, %swap3A_132] {strides = array<i32>} : memref<80x128xf32, #tpu.memory_space<vmem>>, vector<1x16xf32>,
        %swap3A_134 = vector.shape_cast %swap3A_133 : vector<1x16xf32> to vector<16xf32>
        %swap3A_135 = vector.shape_cast %max3A_130 : vector<16xf32> to vector<1x16xf32>
        tpu.vector_store %arg10[%swap3A_131, %swap3A_132], %swap3A_135 {strides = array<i32>} : memref<80x128xf32, #tpu.memory_space<vmem>>, vector<1x16xf32>,
        %get3A_136 = arith.index_cast %scan3A_53 : i32 to index
        %get3A_137 = arith.constant 80 : index
        %get3A_138 = tpu.vector_load %arg9[%get3A_136, %get3A_137] {strides = array<i32>} : memref<80x128xf32, #tpu.memory_space<vmem>>, vector<1x16xf32>,
        %get3A_139 = vector.shape_cast %get3A_138 : vector<1x16xf32> to vector<16xf32>
        %get3A_140 = arith.index_cast %scan3A_53 : i32 to index
        %get3A_141 = arith.constant 80 : index
        %get3A_142 = tpu.vector_load %arg10[%get3A_140, %get3A_141] {strides = array<i32>} : memref<80x128xf32, #tpu.memory_space<vmem>>, vector<1x16xf32>,
        %get3A_143 = vector.shape_cast %get3A_142 : vector<1x16xf32> to vector<16xf32>
        %add3A_144 = arith.addf %get3A_139, %get3A_143 : vector<16xf32>
        %max3A_145 = arith.constant 0.000000e+00 : f32
        %max3A_146 = vector.broadcast %max3A_145 : f32 to vector<16xf32>
        %max3A_147 = arith.maximumf %add3A_144, %max3A_146 : vector<16xf32>
        %swap3A_148 = arith.index_cast %scan3A_53 : i32 to index
        %swap3A_149 = arith.constant 80 : index
        %swap3A_150 = tpu.vector_load %arg10[%swap3A_148, %swap3A_149] {strides = array<i32>} : memref<80x128xf32, #tpu.memory_space<vmem>>, vector<1x16xf32>,
        %swap3A_151 = vector.shape_cast %swap3A_150 : vector<1x16xf32> to vector<16xf32>
        %swap3A_152 = vector.shape_cast %max3A_147 : vector<16xf32> to vector<1x16xf32>
        tpu.vector_store %arg10[%swap3A_148, %swap3A_149], %swap3A_152 {strides = array<i32>} : memref<80x128xf32, #tpu.memory_space<vmem>>, vector<1x16xf32>,
        %get3A_153 = arith.index_cast %scan3A_53 : i32 to index
        %get3A_154 = arith.constant 96 : index
        %get3A_155 = tpu.vector_load %arg9[%get3A_153, %get3A_154] {strides = array<i32>} : memref<80x128xf32, #tpu.memory_space<vmem>>, vector<1x16xf32>,
        %get3A_156 = vector.shape_cast %get3A_155 : vector<1x16xf32> to vector<16xf32>
        %get3A_157 = arith.index_cast %scan3A_53 : i32 to index
        %get3A_158 = arith.constant 96 : index
        %get3A_159 = tpu.vector_load %arg10[%get3A_157, %get3A_158] {strides = array<i32>} : memref<80x128xf32, #tpu.memory_space<vmem>>, vector<1x16xf32>,
        %get3A_160 = vector.shape_cast %get3A_159 : vector<1x16xf32> to vector<16xf32>
        %add3A_161 = arith.addf %get3A_156, %get3A_160 : vector<16xf32>
        %max3A_162 = arith.constant 0.000000e+00 : f32
        %max3A_163 = vector.broadcast %max3A_162 : f32 to vector<16xf32>
        %max3A_164 = arith.maximumf %add3A_161, %max3A_163 : vector<16xf32>
        %swap3A_165 = arith.index_cast %scan3A_53 : i32 to index
        %swap3A_166 = arith.constant 96 : index
        %swap3A_167 = tpu.vector_load %arg10[%swap3A_165, %swap3A_166] {strides = array<i32>} : memref<80x128xf32, #tpu.memory_space<vmem>>, vector<1x16xf32>,
        %swap3A_168 = vector.shape_cast %swap3A_167 : vector<1x16xf32> to vector<16xf32>
        %swap3A_169 = vector.shape_cast %max3A_164 : vector<16xf32> to vector<1x16xf32>
        tpu.vector_store %arg10[%swap3A_165, %swap3A_166], %swap3A_169 {strides = array<i32>} : memref<80x128xf32, #tpu.memory_space<vmem>>, vector<1x16xf32>,
        %get3A_170 = arith.index_cast %scan3A_53 : i32 to index
        %get3A_171 = arith.constant 112 : index
        %get3A_172 = tpu.vector_load %arg9[%get3A_170, %get3A_171] {strides = array<i32>} : memref<80x128xf32, #tpu.memory_space<vmem>>, vector<1x16xf32>,
        %get3A_173 = vector.shape_cast %get3A_172 : vector<1x16xf32> to vector<16xf32>
        %get3A_174 = arith.index_cast %scan3A_53 : i32 to index
        %get3A_175 = arith.constant 112 : index
        %get3A_176 = tpu.vector_load %arg10[%get3A_174, %get3A_175] {strides = array<i32>} : memref<80x128xf32, #tpu.memory_space<vmem>>, vector<1x16xf32>,
        %get3A_177 = vector.shape_cast %get3A_176 : vector<1x16xf32> to vector<16xf32>
        %add3A_178 = arith.addf %get3A_173, %get3A_177 : vector<16xf32>
        %max3A_179 = arith.constant 0.000000e+00 : f32
        %max3A_180 = vector.broadcast %max3A_179 : f32 to vector<16xf32>
        %max3A_181 = arith.maximumf %add3A_178, %max3A_180 : vector<16xf32>
        %swap3A_182 = arith.index_cast %scan3A_53 : i32 to index
        %swap3A_183 = arith.constant 112 : index
        %swap3A_184 = tpu.vector_load %arg10[%swap3A_182, %swap3A_183] {strides = array<i32>} : memref<80x128xf32, #tpu.memory_space<vmem>>, vector<1x16xf32>,
        %swap3A_185 = vector.shape_cast %swap3A_184 : vector<1x16xf32> to vector<16xf32>
        %swap3A_186 = vector.shape_cast %max3A_181 : vector<16xf32> to vector<1x16xf32>
        tpu.vector_store %arg10[%swap3A_182, %swap3A_183], %swap3A_186 {strides = array<i32>} : memref<80x128xf32, #tpu.memory_space<vmem>>, vector<1x16xf32>,
      }
      %scan3A_52 = arith.constant 80 : i32
      "tpu.region"() ({
        %run_scoped3A = tpu.sem_alloc : memref<!tpu.dma_semaphore, #tpu.memory_space<semaphore_mem>>
        %dma_start3A_53 = arith.constant 0 : i32
        %dma_start3A_54 = arith.constant 0 : i32
        %dma_start3A_55 = tpu.memref_slice %arg12[%dma_start3A_53, %dma_start3A_54] : memref<10000x128xf32, #tpu.memory_space<vmem_shared>> -> memref<10000x128xf32, #tpu.memory_space<vmem_shared>>
        tpu.enqueue_indirect_dma source(%arg10 : memref<80x128xf32, #tpu.memory_space<vmem>>) target(%dma_start3A_55 : memref<10000x128xf32, #tpu.memory_space<vmem_shared>>) offsets(%arg8 : memref<80xi32, #tpu.memory_space<vmem>>) semaphore(%run_scoped3A : memref<!tpu.dma_semaphore, #tpu.memory_space<semaphore_mem>>) {add = true}
        %dma_wait3A_56 = arith.constant 0 : i32
        %dma_wait3A_57 = arith.constant 0 : i32
        %dma_wait3A_58 = tpu.memref_slice %arg12[%dma_wait3A_56, %dma_wait3A_57] : memref<10000x128xf32, #tpu.memory_space<vmem_shared>> -> memref<10000x128xf32, #tpu.memory_space<vmem_shared>>
        tpu.wait_indirect_dma semaphore(%run_scoped3A : memref<!tpu.dma_semaphore, #tpu.memory_space<semaphore_mem>>) src(%arg10 : memref<80x128xf32, #tpu.memory_space<vmem>>) dst(%dma_wait3A_58 : memref<10000x128xf32, #tpu.memory_space<vmem_shared>>)
        tpu.yield
      }) : () -> ()
    }
    %scan3A_28 = arith.constant 125 : i32
    %barrier3A_29 = arith.constant 0 : index
    tpu.barrier barrier_id(%barrier3A_29)
    %mul3A_30 = arith.constant 624 : i32
    %mul3A_31 = arith.muli %arg1, %mul3A_30 : i32
    %mul3A_32 = arith.constant 624 : i32
    %mul3A_33 = arith.muli %arg1, %mul3A_32 : i32
    "tpu.region"() ({
      %run_scoped3A = tpu.sem_alloc : memref<!tpu.dma_semaphore, #tpu.memory_space<semaphore_mem>>
      %dma_start3A = arith.constant 0 : i32
      %dma_start3A_39 = tpu.memref_slice %arg6[%arg0, %mul3A_33, %dma_start3A] : memref<2x10000x128xf32, #tpu.memory_space<hbm>> -> memref<1x624x128xf32, #tpu.memory_space<hbm>>
      %dma_start3A_40 = tpu.memref_squeeze %dma_start3A_39 : memref<1x624x128xf32, #tpu.memory_space<hbm>> -> memref<624x128xf32, #tpu.memory_space<hbm>>
      %dma_start3A_41 = arith.constant 0 : i32
      %dma_start3A_42 = tpu.memref_slice %arg12[%mul3A_31, %dma_start3A_41] : memref<10000x128xf32, #tpu.memory_space<vmem_shared>> -> memref<624x128xf32, #tpu.memory_space<vmem_shared>>
      tpu.enqueue_dma source(%dma_start3A_42 : memref<624x128xf32, #tpu.memory_space<vmem_shared>>) target(%dma_start3A_40 : memref<624x128xf32, #tpu.memory_space<hbm>>) target_semaphore(%run_scoped3A : memref<!tpu.dma_semaphore, #tpu.memory_space<semaphore_mem>>)
      %dma_wait3A = arith.constant 0 : i32
      %dma_wait3A_43 = tpu.memref_slice %arg6[%arg0, %mul3A_33, %dma_wait3A] : memref<2x10000x128xf32, #tpu.memory_space<hbm>> -> memref<1x624x128xf32, #tpu.memory_space<hbm>>
      %dma_wait3A_44 = tpu.memref_squeeze %dma_wait3A_43 : memref<1x624x128xf32, #tpu.memory_space<hbm>> -> memref<624x128xf32, #tpu.memory_space<hbm>>
      %dma_wait3A_45 = arith.constant 0 : i32
      %dma_wait3A_46 = tpu.memref_slice %arg12[%mul3A_31, %dma_wait3A_45] : memref<10000x128xf32, #tpu.memory_space<vmem_shared>> -> memref<624x128xf32, #tpu.memory_space<vmem_shared>>
      tpu.wait_dma2 semaphore(%run_scoped3A : memref<!tpu.dma_semaphore, #tpu.memory_space<semaphore_mem>>) src(%dma_wait3A_46 : memref<624x128xf32, #tpu.memory_space<vmem_shared>>) dst(%dma_wait3A_44 : memref<624x128xf32, #tpu.memory_space<hbm>>)
      tpu.yield
    }) : () -> ()
    %eq3A_34 = arith.constant 0 : i32
    %eq3A_35 = arith.cmpi eq, %arg1, %eq3A_34 : i32
    %convert_element_type3A_36 = arith.extui %eq3A_35 : i1 to i32
    %cond3A_37 = arith.constant 0 : i32
    %cond3A_38 = arith.cmpi ne, %convert_element_type3A_36, %cond3A_37 : i32
    scf.if %cond3A_38 {
      "tpu.region"() ({
        %run_scoped3A = tpu.sem_alloc : memref<!tpu.dma_semaphore, #tpu.memory_space<semaphore_mem>>
        %dma_start3A = arith.constant 9984 : i32
        %dma_start3A_39 = arith.constant 0 : i32
        %dma_start3A_40 = tpu.memref_slice %arg6[%arg0, %dma_start3A, %dma_start3A_39] : memref<2x10000x128xf32, #tpu.memory_space<hbm>> -> memref<1x16x128xf32, #tpu.memory_space<hbm>>
        %dma_start3A_41 = tpu.memref_squeeze %dma_start3A_40 : memref<1x16x128xf32, #tpu.memory_space<hbm>> -> memref<16x128xf32, #tpu.memory_space<hbm>>
        %dma_start3A_42 = arith.constant 9984 : i32
        %dma_start3A_43 = arith.constant 0 : i32
        %dma_start3A_44 = tpu.memref_slice %arg12[%dma_start3A_42, %dma_start3A_43] : memref<10000x128xf32, #tpu.memory_space<vmem_shared>> -> memref<16x128xf32, #tpu.memory_space<vmem_shared>>
        tpu.enqueue_dma source(%dma_start3A_44 : memref<16x128xf32, #tpu.memory_space<vmem_shared>>) target(%dma_start3A_41 : memref<16x128xf32, #tpu.memory_space<hbm>>) target_semaphore(%run_scoped3A : memref<!tpu.dma_semaphore, #tpu.memory_space<semaphore_mem>>)
        %dma_wait3A = arith.constant 9984 : i32
        %dma_wait3A_45 = arith.constant 0 : i32
        %dma_wait3A_46 = tpu.memref_slice %arg6[%arg0, %dma_wait3A, %dma_wait3A_45] : memref<2x10000x128xf32, #tpu.memory_space<hbm>> -> memref<1x16x128xf32, #tpu.memory_space<hbm>>
        %dma_wait3A_47 = tpu.memref_squeeze %dma_wait3A_46 : memref<1x16x128xf32, #tpu.memory_space<hbm>> -> memref<16x128xf32, #tpu.memory_space<hbm>>
        %dma_wait3A_48 = arith.constant 9984 : i32
        %dma_wait3A_49 = arith.constant 0 : i32
        %dma_wait3A_50 = tpu.memref_slice %arg12[%dma_wait3A_48, %dma_wait3A_49] : memref<10000x128xf32, #tpu.memory_space<vmem_shared>> -> memref<16x128xf32, #tpu.memory_space<vmem_shared>>
        tpu.wait_dma2 semaphore(%run_scoped3A : memref<!tpu.dma_semaphore, #tpu.memory_space<semaphore_mem>>) src(%dma_wait3A_50 : memref<16x128xf32, #tpu.memory_space<vmem_shared>>) dst(%dma_wait3A_47 : memref<16x128xf32, #tpu.memory_space<hbm>>)
        tpu.yield
      }) : () -> ()
    } else {
    }
    return
  }
}

module attributes {stable_mosaic.version = 14 : i64} {
  func.func @_bias_body(%arg0: i32, %arg1: memref<8000x4xf32, #tpu.memory_space<vmem>>, %arg2: memref<8000x4xf32, #tpu.memory_space<vmem>>, %arg3: memref<4x128xf32, #tpu.memory_space<vmem>>, %arg4: memref<4x128xf32, #tpu.memory_space<vmem>>, %arg5: memref<8000x128xf32, #tpu.memory_space<vmem>>, %arg6: memref<8000x128xf32, #tpu.memory_space<vmem>>) attributes {dimension_semantics = [#tpu.dimension_semantics<arbitrary>], iteration_bounds = array<i64: 40>, scalar_prefetch = 0 : i64, scratch_operands = 0 : i64, tpu.core_type = #tpu.core_type<tc>, window_params = [{transform_indices = @transform_0, window_bounds = array<i64: 8000, 4>}, {transform_indices = @transform_1, window_bounds = array<i64: 8000, 4>}, {pipeline_mode = #tpu.pipeline_mode<synchronous>, transform_indices = @transform_2, window_bounds = array<i64: 4, 128>}, {pipeline_mode = #tpu.pipeline_mode<synchronous>, transform_indices = @transform_3, window_bounds = array<i64: 4, 128>}, {transform_indices = @transform_4, window_bounds = array<i64: 8000, 128>}, {transform_indices = @transform_5, window_bounds = array<i64: 8000, 128>}]} {
    %get3A = arith.constant 0 : index
    %get3A_0 = arith.constant 0 : index
    %get3A_1 = vector.load %arg1[%get3A, %get3A_0] : memref<8000x4xf32, #tpu.memory_space<vmem>>, vector<8000x4xf32>
    %get3A_2 = arith.constant 0 : index
    %get3A_3 = arith.constant 0 : index
    %get3A_4 = vector.load %arg3[%get3A_2, %get3A_3] : memref<4x128xf32, #tpu.memory_space<vmem>>, vector<4x128xf32>
    %dot_general3A = arith.constant dense<0.000000e+00> : vector<8000x128xf32>
    %dot_general3A_5 = tpu.matmul %get3A_1, %get3A_4, %dot_general3A {dimension_numbers = #tpu.dot_dimension_numbers<[1], [0], [0], [1], [0, 0, 1, 1], [], []>, transpose_lhs_hint = false} : vector<8000x4xf32>, vector<4x128xf32>, vector<8000x128xf32> -> vector<8000x128xf32>
    %swap3A = arith.constant 0 : index
    %swap3A_6 = arith.constant 0 : index
    %swap3A_7 = vector.load %arg5[%swap3A, %swap3A_6] : memref<8000x128xf32, #tpu.memory_space<vmem>>, vector<8000x128xf32>
    tpu.vector_store %arg5[%swap3A, %swap3A_6], %dot_general3A_5 {strides = array<i32>} : memref<8000x128xf32, #tpu.memory_space<vmem>>, vector<8000x128xf32>,
    %get3A_8 = arith.constant 0 : index
    %get3A_9 = arith.constant 0 : index
    %get3A_10 = vector.load %arg2[%get3A_8, %get3A_9] : memref<8000x4xf32, #tpu.memory_space<vmem>>, vector<8000x4xf32>
    %get3A_11 = arith.constant 0 : index
    %get3A_12 = arith.constant 0 : index
    %get3A_13 = vector.load %arg4[%get3A_11, %get3A_12] : memref<4x128xf32, #tpu.memory_space<vmem>>, vector<4x128xf32>
    %dot_general3A_14 = arith.constant dense<0.000000e+00> : vector<8000x128xf32>
    %dot_general3A_15 = tpu.matmul %get3A_10, %get3A_13, %dot_general3A_14 {dimension_numbers = #tpu.dot_dimension_numbers<[1], [0], [0], [1], [0, 0, 1, 1], [], []>, transpose_lhs_hint = false} : vector<8000x4xf32>, vector<4x128xf32>, vector<8000x128xf32> -> vector<8000x128xf32>
    %swap3A_16 = arith.constant 0 : index
    %swap3A_17 = arith.constant 0 : index
    %swap3A_18 = vector.load %arg6[%swap3A_16, %swap3A_17] : memref<8000x128xf32, #tpu.memory_space<vmem>>, vector<8000x128xf32>
    tpu.vector_store %arg6[%swap3A_16, %swap3A_17], %dot_general3A_15 {strides = array<i32>} : memref<8000x128xf32, #tpu.memory_space<vmem>>, vector<8000x128xf32>,
    return
  }
  func.func @transform_0(%arg0: i32) -> (i32, i32) {
    %c0_i32 = arith.constant 0 : i32
    %c0_i32_0 = arith.constant 0 : i32
    return %arg0, %c0_i32 : i32, i32
  }
  func.func @transform_1(%arg0: i32) -> (i32, i32) {
    %c0_i32 = arith.constant 0 : i32
    %c0_i32_0 = arith.constant 0 : i32
    return %arg0, %c0_i32 : i32, i32
  }
  func.func @transform_2(%arg0: i32) -> (i32, i32) {
    %c0_i32 = arith.constant 0 : i32
    %c0_i32_0 = arith.constant 0 : i32
    %c0_i32_1 = arith.constant 0 : i32
    return %c0_i32, %c0_i32_0 : i32, i32
  }
  func.func @transform_3(%arg0: i32) -> (i32, i32) {
    %c0_i32 = arith.constant 0 : i32
    %c0_i32_0 = arith.constant 0 : i32
    %c0_i32_1 = arith.constant 0 : i32
    return %c0_i32, %c0_i32_0 : i32, i32
  }
  func.func @transform_4(%arg0: i32) -> (i32, i32) {
    %c0_i32 = arith.constant 0 : i32
    %c0_i32_0 = arith.constant 0 : i32
    return %arg0, %c0_i32 : i32, i32
  }
  func.func @transform_5(%arg0: i32) -> (i32, i32) {
    %c0_i32 = arith.constant 0 : i32
    %c0_i32_0 = arith.constant 0 : i32
    return %arg0, %c0_i32 : i32, i32
  }
}

module attributes {stable_mosaic.version = 14 : i64} {
  func.func @_update_body(%arg0: i32, %arg1: memref<2000x128xf32, #tpu.memory_space<vmem>>, %arg2: memref<2x2000x128xf32, #tpu.memory_space<vmem>>, %arg3: memref<128x128xf32, #tpu.memory_space<vmem>>, %arg4: memref<1x128xf32, #tpu.memory_space<vmem>>, %arg5: memref<2000x128xf32, #tpu.memory_space<vmem>>) attributes {dimension_semantics = [#tpu.dimension_semantics<arbitrary>], iteration_bounds = array<i64: 5>, scalar_prefetch = 0 : i64, scratch_operands = 0 : i64, tpu.core_type = #tpu.core_type<tc>, window_params = [{transform_indices = @transform_0, window_bounds = array<i64: 2000, 128>}, {transform_indices = @transform_1, window_bounds = array<i64: 2, 2000, 128>}, {pipeline_mode = #tpu.pipeline_mode<synchronous>, transform_indices = @transform_2, window_bounds = array<i64: 128, 128>}, {pipeline_mode = #tpu.pipeline_mode<synchronous>, transform_indices = @transform_3, window_bounds = array<i64: 1, 128>}, {transform_indices = @transform_4, window_bounds = array<i64: 2000, 128>}]} {
    %get3A = arith.constant 0 : index
    %get3A_0 = arith.constant 0 : index
    %get3A_1 = vector.load %arg1[%get3A, %get3A_0] : memref<2000x128xf32, #tpu.memory_space<vmem>>, vector<2000x128xf32>
    %get3A_2 = arith.constant 0 : index
    %get3A_3 = arith.constant 0 : index
    %get3A_4 = arith.constant 0 : index
    %get3A_5 = vector.load %arg2[%get3A_2, %get3A_3, %get3A_4] : memref<2x2000x128xf32, #tpu.memory_space<vmem>>, vector<1x2000x128xf32>
    %get3A_6 = vector.shape_cast %get3A_5 : vector<1x2000x128xf32> to vector<2000x128xf32>
    %add3A = arith.addf %get3A_1, %get3A_6 : vector<2000x128xf32>
    %get3A_7 = arith.constant 1 : index
    %get3A_8 = arith.constant 0 : index
    %get3A_9 = arith.constant 0 : index
    %get3A_10 = vector.load %arg2[%get3A_7, %get3A_8, %get3A_9] : memref<2x2000x128xf32, #tpu.memory_space<vmem>>, vector<1x2000x128xf32>
    %get3A_11 = vector.shape_cast %get3A_10 : vector<1x2000x128xf32> to vector<2000x128xf32>
    %add3A_12 = arith.addf %add3A, %get3A_11 : vector<2000x128xf32>
    %get3A_13 = arith.constant 0 : index
    %get3A_14 = arith.constant 0 : index
    %get3A_15 = vector.load %arg3[%get3A_13, %get3A_14] : memref<128x128xf32, #tpu.memory_space<vmem>>, vector<128x128xf32>
    %dot_general3A = arith.constant dense<0.000000e+00> : vector<2000x128xf32>
    %dot_general3A_16 = tpu.matmul %add3A_12, %get3A_15, %dot_general3A {dimension_numbers = #tpu.dot_dimension_numbers<[1], [0], [0], [1], [0, 0, 1, 1], [], []>, transpose_lhs_hint = false} : vector<2000x128xf32>, vector<128x128xf32>, vector<2000x128xf32> -> vector<2000x128xf32>
    %get3A_17 = arith.constant 0 : index
    %get3A_18 = arith.constant 0 : index
    %get3A_19 = vector.load %arg4[%get3A_17, %get3A_18] : memref<1x128xf32, #tpu.memory_space<vmem>>, vector<1x128xf32>
    %add3A_20 = vector.broadcast %get3A_19 : vector<1x128xf32> to vector<2000x128xf32>
    %add3A_21 = arith.addf %dot_general3A_16, %add3A_20 : vector<2000x128xf32>
    %max3A = arith.constant 0.000000e+00 : f32
    %max3A_22 = vector.broadcast %max3A : f32 to vector<2000x128xf32>
    %max3A_23 = arith.maximumf %add3A_21, %max3A_22 : vector<2000x128xf32>
    %swap3A = arith.constant 0 : index
    %swap3A_24 = arith.constant 0 : index
    %swap3A_25 = vector.load %arg5[%swap3A, %swap3A_24] : memref<2000x128xf32, #tpu.memory_space<vmem>>, vector<2000x128xf32>
    tpu.vector_store %arg5[%swap3A, %swap3A_24], %max3A_23 {strides = array<i32>} : memref<2000x128xf32, #tpu.memory_space<vmem>>, vector<2000x128xf32>,
    return
  }
  func.func @transform_0(%arg0: i32) -> (i32, i32) {
    %c0_i32 = arith.constant 0 : i32
    %c0_i32_0 = arith.constant 0 : i32
    return %arg0, %c0_i32 : i32, i32
  }
  func.func @transform_1(%arg0: i32) -> (i32, i32, i32) {
    %c0_i32 = arith.constant 0 : i32
    %c0_i32_0 = arith.constant 0 : i32
    %c0_i32_1 = arith.constant 0 : i32
    return %c0_i32, %arg0, %c0_i32_0 : i32, i32, i32
  }
  func.func @transform_2(%arg0: i32) -> (i32, i32) {
    %c0_i32 = arith.constant 0 : i32
    %c0_i32_0 = arith.constant 0 : i32
    %c0_i32_1 = arith.constant 0 : i32
    return %c0_i32, %c0_i32_0 : i32, i32
  }
  func.func @transform_3(%arg0: i32) -> (i32, i32) {
    %c0_i32 = arith.constant 0 : i32
    %c0_i32_0 = arith.constant 0 : i32
    %c0_i32_1 = arith.constant 0 : i32
    return %c0_i32, %c0_i32_0 : i32, i32
  }
  func.func @transform_4(%arg0: i32) -> (i32, i32) {
    %c0_i32 = arith.constant 0 : i32
    %c0_i32_0 = arith.constant 0 : i32
    return %arg0, %c0_i32 : i32, i32
  }
}

</mosaic_0001>

<sc_bundles>
// kernel: kernel.10.cloned.1.call-start
scs
__scs_entry_jumppad:
0x0: {  	(pc) =	sbr.rel $0x88, $3  }
0x1: {  	(tag) =	ssettag $0x0;
	lr =	simm.s32 $0x1  }
0x2: {  	[smem:$0x3F95] =	sst lr;
	_ =	strace $0xD0000000  }
0x3: {  	_ = 	snop  }
0x4: {  	_ = 	snop  }
0x5: {  	_ = 	snop  }
0x6: {  	_ = 	snop  }
0x7: {  	_ = 	snop  }
__scs_overlays_trampoline_lowered:
0x8: {  	[smem:$0x3FA4] =	sst s0  }
0x9: {  	[smem:$0x3FA5] =	sst s1  }
0xa: {  	[smem:$0x3FA6] =	sst s2  }
0xb: {  	[smem:$0x3FA7] =	sst s3  }
0xc: {  	[smem:$0x3FA8] =	sst s4  }
0xd: {  	[smem:$0x3FA9] =	sst s5  }
0xe: {  	[smem:$0x3FAA] =	sst s6  }
0xf: {  	[smem:$0x3FAB] =	sst s7  }
0x10: {  	[smem:$0x3FAC] =	sst s8  }
0x11: {  	[smem:$0x3FAD] =	sst s9;
	s0 =	simm.s32 @!p0 $0x0  }
0x12: {  	s1 =	sld [smem:$0x3F93];
	s0 =	simm.s32 @p0 $0x1  }
0x13: {  	[smem:$0x3FAE] =	sst s0;
	s0 =	simm.s32 @!p1 $0x0  }
0x14: {  	s2 =	sld [smem:$0x3F92];
	s0 =	simm.s32 @p1 $0x1  }
0x15: {  	[smem:$0x3FAF] =	sst s0;
	s0 =	simm.s32 @!p2 $0x0  }
0x16: {  	s3 =	sld [smem:$0x3FDB];
	s0 =	simm.s32 @p2 $0x1  }
0x17: {  	s4 =	simm.s32 $0x1BF5;
	[smem:$0x3FB1] =	sst s0  }
0x18: {  	s0 =	sld [smem:$0x3F94];
	_ =	swait.ge [sflag:s4], $0x0  }
0x19: {  	s7 =	sld [smem:$0x3F95]  }
0x1a: {  	s8 =	sadd.s32 $0xFFFFE003, lr  }
0x1b: {  	s9 =	sadd.s32 $0xFFFFFEF7, lr;
	s5 =	simm.s32 $0xFFFFFFFF;
	p2 =	slt.u32 s8, $0xFFFFF086  }
0x1c: {  	p1 =	slt.u32 s9, $0xF7A;
	s5 =	simm.s32 @!p2 $0x0  }
0x1d: {  	s5 =	simm.s32 @p1 $0x1;
	p0 =	seq.s32 s7, s2  }
0x1e: {  	s7 =	smul.u32 @!p0 $0xF7A, s2;
	p2 =	seq.s32 @!p0 s5, $0x0  }
0x1f: {  	s9 =	smul.u32 $0xF7A, s1;
	s8 =	simm.s32 @!p0 $0x1BF5;
	p2 =	por !p2, p0  }
0x20: {  	[sflag:s8] =	ssyncset.s32 @!p0 $0xFFFFF086;
	s6 =	sadd.s32 @!p0 s3, s7;
	s7 =	simm.s32 @!p0 $0x108  }
0x21: {  	s3 =	sadd.s32 s3, s9;
	s6 =	sadd.s32 @!p0 $0x88, s6;
	s7 =	simm.s32 @p2 $0x1082  }
0x22: {  	[simem:s7], [sflag:s8] =	dma.local @!p0 [hbm:s6], $0xF7A  }
0x23: {  	s9 =	sor.u32 $0xD0000000, s2;
	s6 =	simm.s32 $0x108;
	_ =	swait.ge @!p0 [sflag:s8], $0x0  }
0x24: {  	s3 =	sadd.s32 $0x88, s3;
	s6 =	simm.s32 @!p1 $0x1082;
	[sflag:s4] =	ssyncset.s32 $0xFFFFF086  }
0x25: {  	[simem:s6], [sflag:s4] =	dma.local [hbm:s3], $0xF7A  }
0x26: {  	[smem:$0x3F95] =	sst s1;
	(tag) =	ssettag s2;
	_ =	strace s9  }
0x27: {  	s1 =	sld [smem:$0x3FA5]  }
0x28: {  	s2 =	sld [smem:$0x3FA6]  }
0x29: {  	s4 =	sld [smem:$0x3FA8]  }
0x2a: {  	p0 =	seq.s32 s5, $0x0;
	s5 =	sld [smem:$0x3FA9]  }
0x2b: {  	s6 =	sld [smem:$0x3FAA]  }
0x2c: {  	s7 =	sld [smem:$0x3FAB]  }
0x2d: {  	s3 =	simm.s32 $0x108;
	s8 =	sld [smem:$0x3FAC]  }
0x2e: {  	s3 =	simm.s32 @!p0 $0x1082;
	s9 =	sld [smem:$0x3FAD]  }
0x2f: {  	lr =	sadd.s32 s0, s3;
	s0 =	sld [smem:$0x3FA4]  }
0x30: {  	s3 =	sld [smem:$0x3FA7]  }
0x31: {  	[smem:$0x3FB0] =	sst s10  }
0x32: {  	s10 =	sld [smem:$0x3FAE];
	_ =	sdelay $0x3  }
0x33: {  	p0 =	seq.s32 s10, $0x1;
	s10 =	sld [smem:$0x3FB0];
	_ =	sdelay $0x3  }
0x34: {  	[smem:$0x3FB0] =	sst s10  }
0x35: {  	s10 =	sld [smem:$0x3FAF];
	_ =	sdelay $0x3  }
0x36: {  	p1 =	seq.s32 s10, $0x1;
	s10 =	sld [smem:$0x3FB0];
	_ =	sdelay $0x3  }
0x37: {  	[smem:$0x3FB0] =	sst s10  }
0x38: {  	s10 =	sld [smem:$0x3FB1]  }
0x39: {  	_ = 	snop;
	(pc) =	sbr.ind lr, $3  }
0x3a: {  	_ = 	snop  }
0x3b: {  	_ = 	snop  }
0x3c: {  	p2 =	seq.s32 s10, $0x1;
	s10 =	sld [smem:$0x3FB0]  }
0x3d: {  	_ =	shalt  }
0x3e: {  	_ =	shalt  }
0x3f: {  	_ =	shalt  }
0x40: {  	_ =	shalt  }
0x41: {  	_ =	shalt  }
0x42: {  	_ =	shalt  }
0x43: {  	_ =	shalt  }
0x44: {  	_ =	shalt  }
0x45: {  	_ =	shalt  }
0x46: {  	_ =	shalt  }
0x47: {  	_ =	shalt  }
0x48: {  	_ =	shalt  }
0x49: {  	_ =	shalt  }
0x4a: {  	_ =	shalt  }
0x4b: {  	_ =	shalt  }
0x4c: {  	_ =	shalt  }
0x4d: {  	_ =	shalt  }
0x4e: {  	_ =	shalt  }
0x4f: {  	_ =	shalt  }
0x50: {  	_ =	shalt  }
0x51: {  	_ =	shalt  }
0x52: {  	_ =	shalt  }
0x53: {  	_ =	shalt  }
0x54: {  	_ =	shalt  }
0x55: {  	_ =	shalt  }
0x56: {  	_ =	shalt  }
0x57: {  	_ =	shalt  }
0x58: {  	_ =	shalt  }
0x59: {  	_ =	shalt  }
0x5a: {  	_ =	shalt  }
0x5b: {  	_ =	shalt  }
0x5c: {  	_ =	shalt  }
0x5d: {  	_ =	shalt  }
0x5e: {  	_ =	shalt  }
0x5f: {  	_ =	shalt  }
0x60: {  	_ =	shalt  }
0x61: {  	_ =	shalt  }
0x62: {  	_ =	shalt  }
0x63: {  	_ =	shalt  }
0x64: {  	_ =	shalt  }
0x65: {  	_ =	shalt  }
0x66: {  	_ =	shalt  }
0x67: {  	_ =	shalt  }
0x68: {  	_ =	shalt  }
0x69: {  	_ =	shalt  }
0x6a: {  	_ =	shalt  }
0x6b: {  	_ =	shalt  }
0x6c: {  	_ =	shalt  }
0x6d: {  	_ =	shalt  }
0x6e: {  	_ =	shalt  }
0x6f: {  	_ =	shalt  }
0x70: {  	_ =	shalt  }
0x71: {  	_ =	shalt  }
0x72: {  	_ =	shalt  }
0x73: {  	_ =	shalt  }
0x74: {  	_ =	shalt  }
0x75: {  	_ =	shalt  }
0x76: {  	_ =	shalt  }
0x77: {  	_ =	shalt  }
0x78: {  	_ =	shalt  }
0x79: {  	_ =	shalt  }
0x7a: {  	_ =	shalt  }
0x7b: {  	_ =	shalt  }
0x7c: {  	_ =	shalt  }
0x7d: {  	_ =	shalt  }
0x7e: {  	_ =	shalt  }
0x7f: {  	_ =	shalt  }
0x80: {  	_ =	shalt  }
0x81: {  	_ =	shalt  }
0x82: {  	_ =	shalt  }
0x83: {  	_ =	shalt  }
0x84: {  	_ =	shalt  }
0x85: {  	_ =	shalt  }
0x86: {  	_ =	shalt  }
0x87: {  	_ =	shalt  }
.Lfunc_end0:
.L_simem_size_0:
called_computation.1_lowered:
.L_overlay_start_0:
0x88: {  	s2 =	sld [smem:$0x3FD9]  }
0x89: {  	s3 =	sld [smem:$0x3FFE];
	_ =	sdelay $0x1  }
0x8a: {  	s1 =	srdreg.scid  }
0x8b: {  	s0 =	sand.u32 $0x1, s1  }
0x8c: {  	s14 =	sshll.u32 s0, $0xA;
	s2 =	sadd.s32 s3, s2  }
0x8d: {  	s2 =	sadd.s32 s2, s14  }
0x8e: {  	[smem:$0x3FBC] =	sst s2  }
0x8f: {  	_ = 	snop  }
0x90: {  	s2 =	sld [smem:$0x3FD0];
	_ =	sdelay $0x2  }
0x91: {  	s15 =	simm.s32 $0xA;
	s4 =	simm.s32 $0x10  }
0x92: {  	[smem:s4], [sflag:s15] =	dma.local [hbm:s2], $0x1  }
0x93: {  	_ =	swait.eq [sflag:s15], $0x1  }
0x94: {  	[sflag:s15] =	ssyncset.done $0x0  }
0x95: {  	[sflag:s15] =	ssyncadd.s32 $0xFFFFFFFF  }
0x96: {  	s16 =	sld [smem:$0x11];
	(tm) =	ssettm $0x1  }
0x97: {  	s17 =	sld [smem:$0x3FFB];
	_ =	sdelay $0x3  }
0x98: {  	_ =	strace s17  }
0x99: {  	s3 =	sld [smem:$0x3FFC];
	_ =	sdelay $0x3  }
0x9a: {  	_ =	strace s3  }
0x9b: {  	s3 =	sld [smem:$0x3FFD];
	_ =	sdelay $0x3  }
0x9c: {  	_ =	strace s3  }
0x9d: {  	_ =	strace $0x8FFFFFFF  }
0x9e: {  	s18 =	sld [smem:$0x3FDB];
	_ =	sdelay $0x1  }
0x9f: {  	s19 =	simm.s32 $_scs_section_size  }
0xa0: {  	s5 =	simm.s32 $_size__tile_overlayer_lowered;
	s6 =	simm.s32 $_tile_overlayer_lowered  }
0xa1: {  	s22 =	simm.s32 $0x1BFF;
	s21 =	sshll.u32 s6, $0x1;
	s3 =	sadd.s32 s19, s18  }
0xa2: {  	s7 =	simm.s32 $0x0;
	s20 =	sshll.u32 s5, $0x1;
	s5 =	sadd.s32 s21, s3  }
0xa3: {  	[timem:s7], [sflag:s22] =	dma.local [hbm:s5], s20  }
0xa4: {  	_ =	swait.ge [sflag:s22], s20  }
0xa5: {  	s4 =	ssub.s32 $0x0, s20;
	[sflag:s22] =	ssyncset.done $0x0  }
0xa6: {  	[sflag:s22] =	ssyncadd.s32 s4;
	_ =	sdelay $0x1  }
0xa7: {  	s23 =	simm.s32 $0x1B8B  }
0xa8: {  	_ =	swait.ge [sflag:s23], $0x1  }
0xa9: {  	[sflag:s23] =	ssyncset.done $0x0  }
0xaa: {  	s25 =	simm.s32 $0x1B8E;
	s24 =	sld [smem:$0x3FFE];
	[sflag:s23] =	ssyncadd.s32 $0xFFFFFFFF  }
0xab: {  	s26 =	simm.s32 $execute0_lowered;
	[smem:$0x3FD2] =	sst s25  }
0xac: {  	s5 =	sshll.u32 s26, $0x1;
	_ =	strace $0x80000049;
	[dreg:$0x1] =	wrdreg $0xFFFFFFFF  }
0xad: {  	s28 =	simm.s32 $_size_execute0_lowered;
	s3 =	sadd.s32 s3, s5;
	[dreg:$0x0] =	wrdreg $0x0  }
0xae: {  	s5 =	sshll.u32 s28, $0x1;
	[dreg:$0x2] =	wrdreg s3  }
0xaf: {  	[dreg:$0x3] =	wrdreg s5  }
0xb0: {  	[dreg:$0x4] =	wrdreg $0xC0  }
0xb1: {  	_ =	task [dreg:s7], $0x5FFFF  }
0xb2: {  	[dreg:$0x1] =	wrdreg $0xFFFFFFFF  }
0xb3: {  	[dreg:$0x0] =	wrdreg $0x60  }
0xb4: {  	[dreg:$0x2] =	wrdreg s16  }
0xb5: {  	[dreg:$0x3] =	wrdreg s24  }
0xb6: {  	[dreg:$0x4] =	wrdreg $0xB9000  }
0xb7: {  	[dreg:$0x5] =	wrdreg $0x9  }
0xb8: {  	_ =	task.clear_ibuf [dreg:s7], $0x6FFFF;
	_ =	strace $0x90000049  }
0xb9: {  	s29 =	simm.s32 $0x9;
	_ =	strace $0x8000004B  }
0xba: {  	_ =	swait.ge [sflag:s29], $0x1  }
0xbb: {  	[sflag:s29] =	ssyncadd.s32 $0xFFFFFFFF  }
0xbc: {  	_ =	strace $0x9000004B  }
0xbd: {  	_ =	sfence  }
0xbe: {  	s30 =	sld [smem:$0x0];
	_ =	sdelay $0x2  }
0xbf: {  	s31 =	sshll.u32 s1, $0xD;
	s1 =	sshrl.u32 s1, $0x2  }
0xc0: {  	s3 =	sand.u32 $0x4000, s31;
	s1 =	sadd.s32 s1, s30  }
0xc1: {  	s0 =	sor.u32 s3, s0;
	s1 =	sshll.u32 s1, $0x11  }
0xc2: {  	s0 =	sor.u32 s1, s0  }
0xc3: {  	s0 =	sadd.s32 $0x8F2B, s0  }
0xc4: {  	[sflag:s0] =	ssyncadd.remote.s32 $0x1  }
0xc5: {  	_ =	sfence.sel $0xFFFF  }
0xc6: {  	[dreg:$0x0] =	wrdreg $0xFFFFFFFF;
	(pc) =	sbr.abs _section_cstart, $3  }
0xc7: {  	[dreg:$0x1] =	wrdreg $0xFFFFFFFF  }
0xc8: {  	_ =	task.clear_ibuf [dreg:s7], $0x2FFFF;
	_ =	strace $0x9FFFFFFF  }
0xc9: {  	(tm) =	ssettm $0x7FFFFFFF  }
tec
execute0_lowered:
.L_overlay_start_1:
0x0: {  	(tag) =	ssettag $0x1  }
0x1: {  	s1 =	rddreg [dreg:$0x0]  }
0x2: {  	s8 =	rddreg [dreg:$0x1]  }
0x3: {  	s2 =	rddreg [dreg:$0x2]  }
0x4: {  	s0 =	rddreg [dreg:$0x3]  }
0x5: {  	s3 =	simm.s32 $0x0;
	s7 =	srdreg.scid;
	s5 =	stileid.u32  }
0x6: {  	s17 =	simm.s32 $0x2;
	s18 =	simm.s32 $0x80;
	s19 =	simm.s32 $0x50  }
0x7: {  	s20 =	simm.s32 $0x100;
	s21 =	simm.s32 $0x1;
	s22 =	simm.s32 $0x2900  }
0x8: {  	[smem:$0x7FF] =	sst s3;
	s4 =	sadd.s32 $0x59200, s8;
	s6 =	sadd.s32 $0x4F400, s8  }
0x9: {  	s12 =	sand.u32 $0x1, s7;
	s9 =	smul.u32 $0x4E000, s5;
	s7 =	sadd.s32 $0xEA7200, s8  }
0xa: {  	s13 =	sadd.s32 $0x1200, s8;
	s16 =	smul.u32 $0x13800, s5;
	s11 =	sadd.s32 $0x138000, s2  }
0xb: {  	p0 =	sne.s32 s5, $0x0;
	_ =	strace $0x8000004A;
	s31 =	ssub.s32 $0x2, s12  }
0xc: {  	s14 =	smul.u32 $0x138800, s12;
	s12 =	sshll.u32 s12, $0x4;
	s10 =	sshrl.u32 s31, $0x1  }
0xd: {  	s9 =	sshrl.u32 s9, $0x2;
	s12 =	sor.u32 s5, s12;
	s15 =	ssub.s32 s31, s10  }
0xe: {  	s8 =	sadd.s32 s9, s2;
	s16 =	sadd.s32 s16, s14;
	s14 =	sshrl.u32 s14, $0x3  }
0xf: {  	s12 =	smul.u32 $0x2710, s12;
	s9 =	sadd.s32 $0x6800, s8;
	s10 =	sadd.s32 $0xD000, s8  }
0x10: {  	s16 =	sshrl.u32 s16, $0x3;
	s14 =	sadd.s32 s13, s14;
	s15 =	smax.u32 s15, $0x1  }
0x11: {  	v0 =	vimm.f32 $0.0e+00;
	s13 =	sadd.s32 s13, s16;
	s14 =	sadd.s32 $0x27000, s14;
	s16 =	simm.s32 $0x5100  }
.LBB2_1:
0x12: {  	s23 =	simm.s32 $0x0;
	s24 =	simm.s32 $0x200  }
.LBB2_2:
0x13: {  	p1 =	sne.s32 s24, $0x19E00;
	[tilespmem:s23+$0x5170] =	vst v0  }
0x14: {  	[tilespmem:s23+$0x5100] =	vst v0  }
0x15: {  	[tilespmem:s23+$0x5110] =	vst v0  }
.Ltmp0:
0x16: {  	[tilespmem:s23+$0x5120] =	vst v0;
	(pc) =	sbr.rel @p1 .LBB2_2-.Ltmp0, $4  }
0x17: {  	[tilespmem:s23+$0x5130] =	vst v0  }
0x18: {  	[tilespmem:s23+$0x5140] =	vst v0  }
0x19: {  	[tilespmem:s23+$0x5150] =	vst v0  }
0x1a: {  	[tilespmem:s23+$0x5160] =	vst v0;
	s23 =	sshra.s32 s24, $0x2;
	s24 =	sadd.s32 $0x200, s24  }
0x1b: {  	[tilespmem:s23+$0x5170] =	vst v0  }
0x1c: {  	[tilespmem:s23+$0x5100] =	vst v0  }
0x1d: {  	[tilespmem:s23+$0x5110] =	vst v0  }
0x1e: {  	[tilespmem:s23+$0x5120] =	vst v0  }
0x1f: {  	[tilespmem:s23+$0x5130] =	vst v0  }
0x20: {  	[tilespmem:s23+$0x5140] =	vst v0  }
0x21: {  	[tilespmem:s23+$0x5150] =	vst v0  }
0x22: {  	[tilespmem:s23+$0x5160] =	vst v0  }
0x23: {  	[spmem:s8] =	stream.linear.scatter [tilespmem:s16], [sflag:$0x2], $0x6800, $0x38;
	[tilespmem:$0x1F180] =	vst v63  }
0x24: {  	_ =	swait.ge [sflag:s17], $0x6800  }
0x25: {  	[sflag:s17] =	ssyncset.done $0x0  }
0x26: {  	[sflag:s17] =	ssyncadd.s32 $0xFFFF9800  }
0x27: {  	[spmem:s9] =	stream.linear.scatter [tilespmem:s16], [sflag:$0x2], $0x6800, $0x38;
	[tilespmem:$0x1F180] =	vst v63  }
0x28: {  	_ =	swait.ge [sflag:s17], $0x6800  }
0x29: {  	[sflag:s17] =	ssyncset.done $0x0  }
0x2a: {  	[sflag:s17] =	ssyncadd.s32 $0xFFFF9800  }
0x2b: {  	[spmem:s10] =	stream.linear.scatter [tilespmem:s16], [sflag:$0x2], $0x6800, $0x38;
	[tilespmem:$0x1F180] =	vst v63  }
0x2c: {  	_ =	swait.ge [sflag:s17], $0x6800  }
0x2d: {  	[sflag:s17] =	ssyncset.done $0x0  }
0x2e: {  	s23 =	simm.s32 @!p0 $0x5100;
	[sflag:s17] =	ssyncadd.s32 $0xFFFF9800  }
0x2f: {  	[spmem:s11] =	stream.linear.scatter @!p0 [tilespmem:s23], [sflag:$0x2], $0x800, $0x38;
	[tilespmem:$0x1F180] =	vst v63  }
0x30: {  	s23 =	simm.s32 @!p0 $0x2  }
0x31: {  	_ =	swait.ge @!p0 [sflag:s23], $0x800  }
0x32: {  	[sflag:s23] =	ssyncset.done @!p0 $0x0  }
0x33: {  	[sflag:s23] =	ssyncadd.s32 @!p0 $0xFFFFF800  }
0x34: {  	s24 =	simm.s32 $0x0;
	s23 =	simm.s32 $0x0;
	[bflag:$0x0] =	sbarrier.arrive $0xFFFF  }
.LBB2_4:
0x35: {  	s25 =	smul.u32 $0x50, s24;
	_ =	sdelay $0x1  }
0x36: {  	s25 =	sadd.s32 s12, s25  }
0x37: {  	s26 =	sshrl.u32 s25, $0x3  }
0x38: {  	s28 =	sadd.s32 s4, s26  }
0x39: {  	[tilespmem:s23], [sflag:$0x2] =	stream.linear.gather [hbm4b:s28+s23], $0x50, $0x38;
	[tilespmem:$0x1F180] =	vst v63  }
0x3a: {  	_ =	swait.ge [sflag:s17], $0x50  }
0x3b: {  	[sflag:s17] =	ssyncset.done $0x0  }
0x3c: {  	s26 =	sadd.s32 s6, s26;
	[sflag:s17] =	ssyncadd.s32 $0xFFFFFFB0  }
0x3d: {  	[tilespmem:s18], [sflag:$0x2] =	stream.linear.gather [hbm4b:s26+s23], $0x50, $0x38;
	[tilespmem:$0x1F180] =	vst v63  }
0x3e: {  	_ =	swait.ge [sflag:s17], $0x50  }
0x3f: {  	[sflag:s17] =	ssyncset.done $0x0  }
0x40: {  	[sflag:s17] =	ssyncadd.s32 $0xFFFFFFB0  }
0x41: {  	[tilespmem:s20], [sflag:$0x1] =	stream.indirect.gather [hbm4b:s1+s19], $0x80, s23, s19, $0xb8;
	[tilespmem:$0x1F180] =	vst v63  }
0x42: {  	_ =	swait.ge [sflag:s21], $0x2800  }
0x43: {  	s25 =	sshll.u32 s25, $0x4;
	[sflag:s21] =	ssyncset.done $0x0  }
0x44: {  	s25 =	sadd.s32 s7, s25;
	[sflag:s21] =	ssyncadd.s32 $0xFFFFD800  }
0x45: {  	[tilespmem:s22], [sflag:$0x2] =	stream.linear.gather [hbm4b:s25+s23], $0x2800, $0x38;
	[tilespmem:$0x1F180] =	vst v63  }
0x46: {  	_ =	swait.ge [sflag:s17], $0x2800  }
0x47: {  	[sflag:s17] =	ssyncset.done $0x0  }
0x48: {  	s25 =	simm.s32 $0x0;
	[sflag:s17] =	ssyncadd.s32 $0xFFFFD800  }
0x49: {  	v7 =	vld [tilespmem:s25+$0x100]  }
0x4a: {  	v12 =	vld [tilespmem:s25+$0x110]  }
0x4b: {  	v6 =	vld [tilespmem:s25+$0x120]  }
0x4c: {  	v5 =	vld [tilespmem:s25+$0x130]  }
0x4d: {  	v4 =	vld [tilespmem:s25+$0x140]  }
0x4e: {  	v3 =	vld [tilespmem:s25+$0x150]  }
0x4f: {  	v2 =	vld [tilespmem:s25+$0x160]  }
0x50: {  	v1 =	vld [tilespmem:s25+$0x170]  }
0x51: {  	v13 =	vld [tilespmem:s25+$0x2900]  }
0x52: {  	v14 =	vld [tilespmem:s25+$0x2910]  }
0x53: {  	v11 =	vld [tilespmem:s25+$0x2920]  }
0x54: {  	v10 =	vld [tilespmem:s25+$0x2930]  }
0x55: {  	v9 =	vld [tilespmem:s25+$0x2940]  }
0x56: {  	v8 =	vld [tilespmem:s25+$0x2950];
	v13 =	vadd.f32 v13, v7  }
0x57: {  	s26 =	simm.s32 $0x200;
	v12 =	vadd.f32 v14, v12;
	v7 =	vld [tilespmem:s25+$0x2960]  }
.LBB2_5:
0x58: {  	s28 =	sshra.s32 s26, $0x2;
	p1 =	sne.s32 s26, $0x9E00;
	v13 =	vmax.f32 v13, $0.0e+00;
	v6 =	vadd.f32 v11, v6;
	v11 =	vld [tilespmem:s25+$0x2970]  }
0x59: {  	v14 =	vld [tilespmem:s28+$0x100];
	[tilespmem:s25+$0x2900] =	vst v13;
	v12 =	vmax.f32 v12, $0.0e+00;
	v5 =	vadd.f32 v10, v5  }
0x5a: {  	v15 =	vld [tilespmem:s28+$0x110];
	[tilespmem:s25+$0x2910] =	vst v12;
	v10 =	vmax.f32 v6, $0.0e+00;
	v4 =	vadd.f32 v9, v4  }
0x5b: {  	v6 =	vld [tilespmem:s28+$0x120];
	[tilespmem:s25+$0x2920] =	vst v10;
	v9 =	vmax.f32 v5, $0.0e+00;
	v3 =	vadd.f32 v8, v3  }
0x5c: {  	v5 =	vld [tilespmem:s28+$0x130];
	[tilespmem:s25+$0x2930] =	vst v9;
	v8 =	vmax.f32 v4, $0.0e+00;
	v2 =	vadd.f32 v7, v2  }
0x5d: {  	v4 =	vld [tilespmem:s28+$0x140];
	[tilespmem:s25+$0x2940] =	vst v8;
	v7 =	vmax.f32 v3, $0.0e+00;
	v1 =	vadd.f32 v11, v1  }
0x5e: {  	v3 =	vld [tilespmem:s28+$0x150];
	[tilespmem:s25+$0x2950] =	vst v7;
	v7 =	vmax.f32 v2, $0.0e+00  }
0x5f: {  	v2 =	vld [tilespmem:s28+$0x160];
	[tilespmem:s25+$0x2960] =	vst v7;
	v7 =	vmax.f32 v1, $0.0e+00  }
0x60: {  	v1 =	vld [tilespmem:s28+$0x170];
	[tilespmem:s25+$0x2970] =	vst v7;
	s25 =	smov.u32 s28  }
0x61: {  	v7 =	vld [tilespmem:s25+$0x2900]  }
0x62: {  	v12 =	vld [tilespmem:s25+$0x2910]  }
.Ltmp1:
0x63: {  	v11 =	vld [tilespmem:s25+$0x2920];
	(pc) =	sbr.rel @p1 .LBB2_5-.Ltmp1, $4  }
0x64: {  	v10 =	vld [tilespmem:s25+$0x2930]  }
0x65: {  	v9 =	vld [tilespmem:s25+$0x2940]  }
0x66: {  	v13 =	vadd.f32 v7, v14;
	v8 =	vld [tilespmem:s25+$0x2950]  }
0x67: {  	s26 =	sadd.s32 $0x200, s26;
	v12 =	vadd.f32 v12, v15;
	v7 =	vld [tilespmem:s25+$0x2960]  }
0x68: {  	v13 =	vmax.f32 v13, $0.0e+00;
	v6 =	vadd.f32 v11, v6;
	v63 =	vld [tilespmem:s25+$0x2970]  }
0x69: {  	[tilespmem:s25+$0x2900] =	vst v13;
	v12 =	vmax.f32 v12, $0.0e+00;
	v5 =	vadd.f32 v10, v5  }
0x6a: {  	[tilespmem:s25+$0x2910] =	vst v12;
	v6 =	vmax.f32 v6, $0.0e+00;
	v4 =	vadd.f32 v9, v4  }
0x6b: {  	[tilespmem:s25+$0x2920] =	vst v6;
	v5 =	vmax.f32 v5, $0.0e+00;
	v3 =	vadd.f32 v8, v3  }
0x6c: {  	[tilespmem:s25+$0x2930] =	vst v5;
	v4 =	vmax.f32 v4, $0.0e+00;
	v2 =	vadd.f32 v7, v2  }
0x6d: {  	[tilespmem:s25+$0x2940] =	vst v4;
	v3 =	vmax.f32 v3, $0.0e+00;
	v1 =	vadd.f32 v63, v1  }
0x6e: {  	s24 =	sadd.s32 $0x1, s24;
	[tilespmem:s25+$0x2950] =	vst v3;
	v2 =	vmax.f32 v2, $0.0e+00  }
0x6f: {  	p1 =	sne.s32 s24, $0x7D;
	[tilespmem:s25+$0x2960] =	vst v2;
	v1 =	vmax.f32 v1, $0.0e+00  }
.Ltmp2:
0x70: {  	[tilespmem:s25+$0x2970] =	vst v1;
	(pc) =	sbr.rel @p1 .LBB2_4-.Ltmp2, $4  }
0x71: {  	[spmem:s2] =	stream.indirect.scatter.add.f32 [tilespmem:s22], [sflag:$0x2], $0x80, s18, s19, $0xb8;
	[tilespmem:$0x1F180] =	vst v63  }
0x72: {  	_ =	swait.ge [sflag:s17], $0x2800  }
0x73: {  	[sflag:s17] =	ssyncset.done $0x0  }
0x74: {  	[sflag:s17] =	ssyncadd.s32 $0xFFFFD800  }
0x75: {  	s23 =	sshll.u32 s5, $0x6  }
0x76: {  	[bflag:$0x0] =	sbarrier.arrive $0xFFFF;
	s24 =	sshrl.u32 s8, $0x3;
	s23 =	sor.u32 $0x1C02, s23  }
0x77: {  	[hbm:s13], [sflag:s23] =	dma.local [spmem:s24], $0x2700  }
0x78: {  	_ =	swait.ge [sflag:s17], $0x2700  }
0x79: {  	s3 =	sadd.s32 $0x1, s3;
	[sflag:s17] =	ssyncset.done $0x0  }
0x7a: {  	p1 =	sne.s32 s3, s15;
	s24 =	sshrl.u32 @!p0 s11, $0x3;
	[sflag:s17] =	ssyncadd.s32 $0xFFFFD900  }
0x7b: {  	[hbm:s14], [sflag:s23] =	dma.local @!p0 [spmem:s24], $0x100  }
.Ltmp3:
0x7c: {  	_ = 	snop;
	(pc) =	sbr.rel @p1 .LBB2_1-.Ltmp3, $4  }
0x7d: {  	s23 =	simm.s32 @!p0 $0x2  }
0x7e: {  	_ =	swait.ge @!p0 [sflag:s23], $0x100  }
0x7f: {  	[sflag:s23] =	ssyncset.done @!p0 $0x0  }
0x80: {  	[sflag:s23] =	ssyncadd.s32 @!p0 $0xFFFFFF00  }
0x81: {  	_ =	sfence.sel $0x180000  }
0x82: {  	[bflag:$0x0] =	sbarrier.arrive $0xFFFF  }
0x83: {  	_ =	strace $0x9000004A  }
0x84: {  	s0 =	sadd.s32 @!p0 $0x100000, s0;
	[bflag:$0x2] =	sbarrier.arrive $0xFFFF  }
0x85: {  	[sflag:s0] =	ssyncadd.tile.s32 @!p0 $0x1;
	_ =	shalt  }
.Lfunc_end2:
_tile_overlayer_lowered:
.L_overlay_start_2:
0x86: {  	(tag) =	ssettag $0x2  }
0x87: {  	s0 =	rddreg [dreg:$0x0];
	s2 =	stileid.u32  }
0x88: {  	s1 =	rddreg [dreg:$0x1];
	p0 =	sne.s32 s2, $0x0  }
0x89: {  	s3 =	rddreg [dreg:$0x2];
	[bflag:$0x3] =	sbarrier.arrive $0xFFFF;
	s2 =	simm.s32 @!p0 $0x1C02  }
0x8a: {  	[timem:s3], [sflag:s2] =	dma.local @!p0 [hbm:s0], s1  }
0x8b: {  	s0 =	simm.s32 @!p0 $0x2  }
0x8c: {  	_ =	swait.ge @!p0 [sflag:s0], s1  }
0x8d: {  	s1 =	ssub.s32 @!p0 $0x0, s1;
	[sflag:s0] =	ssyncset.done @!p0 $0x0  }
0x8e: {  	[sflag:s0] =	ssyncadd.s32 @!p0 s1  }
0x8f: {  	[bflag:$0x3] =	sbarrier.arrive $0xFFFF  }
0x90: {  	_ =	shalt  }

// kernel: kernel.7.cloned.1.call-start
scs
__scs_entry_jumppad:
0x0: {  	(pc) =	sbr.rel $0x88, $3  }
0x1: {  	(tag) =	ssettag $0x0;
	lr =	simm.s32 $0x1  }
0x2: {  	[smem:$0x3F95] =	sst lr;
	_ =	strace $0xD0000000  }
0x3: {  	_ = 	snop  }
0x4: {  	_ = 	snop  }
0x5: {  	_ = 	snop  }
0x6: {  	_ = 	snop  }
0x7: {  	_ = 	snop  }
__scs_overlays_trampoline_lowered:
0x8: {  	[smem:$0x3FA4] =	sst s0  }
0x9: {  	[smem:$0x3FA5] =	sst s1  }
0xa: {  	[smem:$0x3FA6] =	sst s2  }
0xb: {  	[smem:$0x3FA7] =	sst s3  }
0xc: {  	[smem:$0x3FA8] =	sst s4  }
0xd: {  	[smem:$0x3FA9] =	sst s5  }
0xe: {  	[smem:$0x3FAA] =	sst s6  }
0xf: {  	[smem:$0x3FAB] =	sst s7  }
0x10: {  	[smem:$0x3FAC] =	sst s8  }
0x11: {  	[smem:$0x3FAD] =	sst s9;
	s0 =	simm.s32 @!p0 $0x0  }
0x12: {  	s1 =	sld [smem:$0x3F93];
	s0 =	simm.s32 @p0 $0x1  }
0x13: {  	[smem:$0x3FAE] =	sst s0;
	s0 =	simm.s32 @!p1 $0x0  }
0x14: {  	s2 =	sld [smem:$0x3F92];
	s0 =	simm.s32 @p1 $0x1  }
0x15: {  	[smem:$0x3FAF] =	sst s0;
	s0 =	simm.s32 @!p2 $0x0  }
0x16: {  	s3 =	sld [smem:$0x3FDB];
	s0 =	simm.s32 @p2 $0x1  }
0x17: {  	s4 =	simm.s32 $0x1BF5;
	[smem:$0x3FB1] =	sst s0  }
0x18: {  	s0 =	sld [smem:$0x3F94];
	_ =	swait.ge [sflag:s4], $0x0  }
0x19: {  	s7 =	sld [smem:$0x3F95]  }
0x1a: {  	s8 =	sadd.s32 $0xFFFFE003, lr  }
0x1b: {  	s9 =	sadd.s32 $0xFFFFFEF7, lr;
	s5 =	simm.s32 $0xFFFFFFFF;
	p2 =	slt.u32 s8, $0xFFFFF086  }
0x1c: {  	p1 =	slt.u32 s9, $0xF7A;
	s5 =	simm.s32 @!p2 $0x0  }
0x1d: {  	s5 =	simm.s32 @p1 $0x1;
	p0 =	seq.s32 s7, s2  }
0x1e: {  	s7 =	smul.u32 @!p0 $0xF7A, s2;
	p2 =	seq.s32 @!p0 s5, $0x0  }
0x1f: {  	s9 =	smul.u32 $0xF7A, s1;
	s8 =	simm.s32 @!p0 $0x1BF5;
	p2 =	por !p2, p0  }
0x20: {  	[sflag:s8] =	ssyncset.s32 @!p0 $0xFFFFF086;
	s6 =	sadd.s32 @!p0 s3, s7;
	s7 =	simm.s32 @!p0 $0x108  }
0x21: {  	s3 =	sadd.s32 s3, s9;
	s6 =	sadd.s32 @!p0 $0x88, s6;
	s7 =	simm.s32 @p2 $0x1082  }
0x22: {  	[simem:s7], [sflag:s8] =	dma.local @!p0 [hbm:s6], $0xF7A  }
0x23: {  	s9 =	sor.u32 $0xD0000000, s2;
	s6 =	simm.s32 $0x108;
	_ =	swait.ge @!p0 [sflag:s8], $0x0  }
0x24: {  	s3 =	sadd.s32 $0x88, s3;
	s6 =	simm.s32 @!p1 $0x1082;
	[sflag:s4] =	ssyncset.s32 $0xFFFFF086  }
0x25: {  	[simem:s6], [sflag:s4] =	dma.local [hbm:s3], $0xF7A  }
0x26: {  	[smem:$0x3F95] =	sst s1;
	(tag) =	ssettag s2;
	_ =	strace s9  }
0x27: {  	s1 =	sld [smem:$0x3FA5]  }
0x28: {  	s2 =	sld [smem:$0x3FA6]  }
0x29: {  	s4 =	sld [smem:$0x3FA8]  }
0x2a: {  	p0 =	seq.s32 s5, $0x0;
	s5 =	sld [smem:$0x3FA9]  }
0x2b: {  	s6 =	sld [smem:$0x3FAA]  }
0x2c: {  	s7 =	sld [smem:$0x3FAB]  }
0x2d: {  	s3 =	simm.s32 $0x108;
	s8 =	sld [smem:$0x3FAC]  }
0x2e: {  	s3 =	simm.s32 @!p0 $0x1082;
	s9 =	sld [smem:$0x3FAD]  }
0x2f: {  	lr =	sadd.s32 s0, s3;
	s0 =	sld [smem:$0x3FA4]  }
0x30: {  	s3 =	sld [smem:$0x3FA7]  }
0x31: {  	[smem:$0x3FB0] =	sst s10  }
0x32: {  	s10 =	sld [smem:$0x3FAE];
	_ =	sdelay $0x3  }
0x33: {  	p0 =	seq.s32 s10, $0x1;
	s10 =	sld [smem:$0x3FB0];
	_ =	sdelay $0x3  }
0x34: {  	[smem:$0x3FB0] =	sst s10  }
0x35: {  	s10 =	sld [smem:$0x3FAF];
	_ =	sdelay $0x3  }
0x36: {  	p1 =	seq.s32 s10, $0x1;
	s10 =	sld [smem:$0x3FB0];
	_ =	sdelay $0x3  }
0x37: {  	[smem:$0x3FB0] =	sst s10  }
0x38: {  	s10 =	sld [smem:$0x3FB1]  }
0x39: {  	_ = 	snop;
	(pc) =	sbr.ind lr, $3  }
0x3a: {  	_ = 	snop  }
0x3b: {  	_ = 	snop  }
0x3c: {  	p2 =	seq.s32 s10, $0x1;
	s10 =	sld [smem:$0x3FB0]  }
0x3d: {  	_ =	shalt  }
0x3e: {  	_ =	shalt  }
0x3f: {  	_ =	shalt  }
0x40: {  	_ =	shalt  }
0x41: {  	_ =	shalt  }
0x42: {  	_ =	shalt  }
0x43: {  	_ =	shalt  }
0x44: {  	_ =	shalt  }
0x45: {  	_ =	shalt  }
0x46: {  	_ =	shalt  }
0x47: {  	_ =	shalt  }
0x48: {  	_ =	shalt  }
0x49: {  	_ =	shalt  }
0x4a: {  	_ =	shalt  }
0x4b: {  	_ =	shalt  }
0x4c: {  	_ =	shalt  }
0x4d: {  	_ =	shalt  }
0x4e: {  	_ =	shalt  }
0x4f: {  	_ =	shalt  }
0x50: {  	_ =	shalt  }
0x51: {  	_ =	shalt  }
0x52: {  	_ =	shalt  }
0x53: {  	_ =	shalt  }
0x54: {  	_ =	shalt  }
0x55: {  	_ =	shalt  }
0x56: {  	_ =	shalt  }
0x57: {  	_ =	shalt  }
0x58: {  	_ =	shalt  }
0x59: {  	_ =	shalt  }
0x5a: {  	_ =	shalt  }
0x5b: {  	_ =	shalt  }
0x5c: {  	_ =	shalt  }
0x5d: {  	_ =	shalt  }
0x5e: {  	_ =	shalt  }
0x5f: {  	_ =	shalt  }
0x60: {  	_ =	shalt  }
0x61: {  	_ =	shalt  }
0x62: {  	_ =	shalt  }
0x63: {  	_ =	shalt  }
0x64: {  	_ =	shalt  }
0x65: {  	_ =	shalt  }
0x66: {  	_ =	shalt  }
0x67: {  	_ =	shalt  }
0x68: {  	_ =	shalt  }
0x69: {  	_ =	shalt  }
0x6a: {  	_ =	shalt  }
0x6b: {  	_ =	shalt  }
0x6c: {  	_ =	shalt  }
0x6d: {  	_ =	shalt  }
0x6e: {  	_ =	shalt  }
0x6f: {  	_ =	shalt  }
0x70: {  	_ =	shalt  }
0x71: {  	_ =	shalt  }
0x72: {  	_ =	shalt  }
0x73: {  	_ =	shalt  }
0x74: {  	_ =	shalt  }
0x75: {  	_ =	shalt  }
0x76: {  	_ =	shalt  }
0x77: {  	_ =	shalt  }
0x78: {  	_ =	shalt  }
0x79: {  	_ =	shalt  }
0x7a: {  	_ =	shalt  }
0x7b: {  	_ =	shalt  }
0x7c: {  	_ =	shalt  }
0x7d: {  	_ =	shalt  }
0x7e: {  	_ =	shalt  }
0x7f: {  	_ =	shalt  }
0x80: {  	_ =	shalt  }
0x81: {  	_ =	shalt  }
0x82: {  	_ =	shalt  }
0x83: {  	_ =	shalt  }
0x84: {  	_ =	shalt  }
0x85: {  	_ =	shalt  }
0x86: {  	_ =	shalt  }
0x87: {  	_ =	shalt  }
.Lfunc_end0:
.L_simem_size_0:
called_computation_lowered:
.L_overlay_start_0:
0x88: {  	s2 =	sld [smem:$0x3FD9]  }
0x89: {  	s3 =	sld [smem:$0x3FFE];
	_ =	sdelay $0x1  }
0x8a: {  	s1 =	srdreg.scid  }
0x8b: {  	s0 =	sand.u32 $0x1, s1  }
0x8c: {  	s14 =	sshll.u32 s0, $0xA;
	s2 =	sadd.s32 s3, s2  }
0x8d: {  	s2 =	sadd.s32 s2, s14  }
0x8e: {  	[smem:$0x3FBC] =	sst s2  }
0x8f: {  	_ = 	snop  }
0x90: {  	s2 =	sld [smem:$0x3FD0];
	_ =	sdelay $0x2  }
0x91: {  	s4 =	simm.s32 $0xA;
	s5 =	simm.s32 $0x10;
	s15 =	sld [smem:$0x3FC8]  }
0x92: {  	[smem:s5], [sflag:s4] =	dma.local [hbm:s2], $0x1  }
0x93: {  	_ =	swait.eq [sflag:s4], $0x1  }
0x94: {  	[sflag:s4] =	ssyncset.done $0x0  }
0x95: {  	s16 =	sld [smem:$0x10];
	[sflag:s4] =	ssyncadd.s32 $0xFFFFFFFF  }
0x96: {  	s17 =	sld [smem:$0x11];
	(tm) =	ssettm $0x1  }
0x97: {  	s18 =	sld [smem:$0x3FFB];
	_ =	sdelay $0x3  }
0x98: {  	_ =	strace s18  }
0x99: {  	s5 =	sld [smem:$0x3FFC];
	_ =	sdelay $0x3  }
0x9a: {  	_ =	strace s5  }
0x9b: {  	s5 =	sld [smem:$0x3FFD];
	_ =	sdelay $0x3  }
0x9c: {  	_ =	strace s5  }
0x9d: {  	_ =	strace $0x8FFFFFFF  }
0x9e: {  	s19 =	sld [smem:$0x3FDB];
	_ =	sdelay $0x1  }
0x9f: {  	s6 =	simm.s32 $_scs_section_size  }
0xa0: {  	s7 =	simm.s32 $_size__tile_overlayer_lowered;
	s8 =	simm.s32 $_tile_overlayer_lowered  }
0xa1: {  	s22 =	simm.s32 $0x1BFF;
	s21 =	sshll.u32 s8, $0x1;
	s5 =	sadd.s32 s6, s19  }
0xa2: {  	s9 =	simm.s32 $0x0;
	s20 =	sshll.u32 s7, $0x1;
	s7 =	sadd.s32 s21, s5  }
0xa3: {  	[timem:s9], [sflag:s22] =	dma.local [hbm:s7], s20  }
0xa4: {  	_ =	swait.ge [sflag:s22], s20  }
0xa5: {  	s6 =	ssub.s32 $0x0, s20;
	[sflag:s22] =	ssyncset.done $0x0  }
0xa6: {  	[sflag:s22] =	ssyncadd.s32 s6;
	_ =	sdelay $0x1  }
0xa7: {  	s23 =	simm.s32 $0x1B8B  }
0xa8: {  	_ =	swait.ge [sflag:s23], $0x1  }
0xa9: {  	[sflag:s23] =	ssyncset.done $0x0  }
0xaa: {  	s25 =	simm.s32 $0x1B8E;
	s24 =	sld [smem:$0x3FFE];
	[sflag:s23] =	ssyncadd.s32 $0xFFFFFFFF  }
0xab: {  	s26 =	simm.s32 $execute0_lowered;
	[smem:$0x3FD2] =	sst s25  }
0xac: {  	s7 =	sshll.u32 s26, $0x1;
	_ =	strace $0x80000046;
	[dreg:$0x1] =	wrdreg $0xFFFFFFFF  }
0xad: {  	s28 =	simm.s32 $_size_execute0_lowered;
	s5 =	sadd.s32 s5, s7;
	[dreg:$0x0] =	wrdreg $0x0  }
0xae: {  	s7 =	sshll.u32 s28, $0x1;
	[dreg:$0x2] =	wrdreg s5  }
0xaf: {  	[dreg:$0x3] =	wrdreg s7  }
0xb0: {  	[dreg:$0x4] =	wrdreg $0xC0  }
0xb1: {  	_ =	task [dreg:s9], $0x5FFFF  }
0xb2: {  	[dreg:$0x1] =	wrdreg $0xFFFFFFFF  }
0xb3: {  	[dreg:$0x0] =	wrdreg $0x60  }
0xb4: {  	[dreg:$0x2] =	wrdreg s15  }
0xb5: {  	[dreg:$0x3] =	wrdreg s17  }
0xb6: {  	[dreg:$0x4] =	wrdreg s16  }
0xb7: {  	[dreg:$0x5] =	wrdreg s24  }
0xb8: {  	[dreg:$0x6] =	wrdreg $0xB9000  }
0xb9: {  	[dreg:$0x7] =	wrdreg $0x9  }
0xba: {  	_ =	task.clear_ibuf [dreg:s9], $0x8FFFF;
	_ =	strace $0x90000046  }
0xbb: {  	s29 =	simm.s32 $0x9;
	_ =	strace $0x80000048  }
0xbc: {  	_ =	swait.ge [sflag:s29], $0x1  }
0xbd: {  	[sflag:s29] =	ssyncadd.s32 $0xFFFFFFFF  }
0xbe: {  	_ =	strace $0x90000048  }
0xbf: {  	_ =	sfence  }
0xc0: {  	s30 =	sld [smem:$0x0];
	_ =	sdelay $0x2  }
0xc1: {  	s31 =	sshll.u32 s1, $0xD;
	s1 =	sshrl.u32 s1, $0x2  }
0xc2: {  	s3 =	sand.u32 $0x4000, s31;
	s1 =	sadd.s32 s1, s30  }
0xc3: {  	s0 =	sor.u32 s3, s0;
	s1 =	sshll.u32 s1, $0x11  }
0xc4: {  	s0 =	sor.u32 s1, s0  }
0xc5: {  	s0 =	sadd.s32 $0x8F2B, s0  }
0xc6: {  	[sflag:s0] =	ssyncadd.remote.s32 $0x1  }
0xc7: {  	_ =	sfence.sel $0xFFFF  }
0xc8: {  	[dreg:$0x0] =	wrdreg $0xFFFFFFFF;
	(pc) =	sbr.abs _section_cstart, $3  }
0xc9: {  	[dreg:$0x1] =	wrdreg $0xFFFFFFFF  }
0xca: {  	_ =	task.clear_ibuf [dreg:s9], $0x2FFFF;
	_ =	strace $0x9FFFFFFF  }
0xcb: {  	(tm) =	ssettm $0x7FFFFFFF  }
tec
execute0_lowered:
.L_overlay_start_1:
0x0: {  	(tag) =	ssettag $0x1  }
0x1: {  	s1 =	rddreg [dreg:$0x0]  }
0x2: {  	s2 =	rddreg [dreg:$0x1]  }
0x3: {  	s3 =	rddreg [dreg:$0x2]  }
0x4: {  	s8 =	rddreg [dreg:$0x3]  }
0x5: {  	s4 =	rddreg [dreg:$0x4]  }
0x6: {  	s0 =	rddreg [dreg:$0x5];
	s5 =	simm.s32 $0x0  }
0x7: {  	s7 =	srdreg.scid;
	s6 =	stileid.u32;
	s17 =	simm.s32 $0x2  }
0x8: {  	s18 =	simm.s32 $0x80;
	s19 =	simm.s32 $0x50;
	s20 =	simm.s32 $0x100  }
0x9: {  	s21 =	simm.s32 $0x1;
	s22 =	simm.s32 $0x2900;
	[smem:$0x7FF] =	sst s5  }
0xa: {  	s12 =	sand.u32 $0x1, s7;
	s9 =	smul.u32 $0x4E000, s6;
	s7 =	sadd.s32 $0x9C5200, s8  }
0xb: {  	s13 =	sadd.s32 $0x1200, s8;
	s16 =	smul.u32 $0x13800, s6;
	s11 =	sadd.s32 $0x138000, s4  }
0xc: {  	p0 =	sne.s32 s6, $0x0;
	_ =	strace $0x80000047;
	s31 =	ssub.s32 $0x2, s12  }
0xd: {  	s14 =	smul.u32 $0x138800, s12;
	s12 =	sshll.u32 s12, $0x4;
	s10 =	sshrl.u32 s31, $0x1  }
0xe: {  	s9 =	sshrl.u32 s9, $0x2;
	s12 =	sor.u32 s6, s12;
	s15 =	ssub.s32 s31, s10  }
0xf: {  	s8 =	sadd.s32 s9, s4;
	s16 =	sadd.s32 s16, s14;
	s14 =	sshrl.u32 s14, $0x3  }
0x10: {  	s12 =	smul.u32 $0x2710, s12;
	s9 =	sadd.s32 $0x6800, s8;
	s10 =	sadd.s32 $0xD000, s8  }
0x11: {  	s16 =	sshrl.u32 s16, $0x3;
	s14 =	sadd.s32 s13, s14;
	s15 =	smax.u32 s15, $0x1  }
0x12: {  	v0 =	vimm.f32 $0.0e+00;
	s13 =	sadd.s32 s13, s16;
	s14 =	sadd.s32 $0x27000, s14;
	s16 =	simm.s32 $0x5100  }
.LBB2_1:
0x13: {  	s23 =	simm.s32 $0x0;
	s24 =	simm.s32 $0x200  }
.LBB2_2:
0x14: {  	p1 =	sne.s32 s24, $0x19E00;
	[tilespmem:s23+$0x5170] =	vst v0  }
0x15: {  	[tilespmem:s23+$0x5100] =	vst v0  }
0x16: {  	[tilespmem:s23+$0x5110] =	vst v0  }
.Ltmp0:
0x17: {  	[tilespmem:s23+$0x5120] =	vst v0;
	(pc) =	sbr.rel @p1 .LBB2_2-.Ltmp0, $4  }
0x18: {  	[tilespmem:s23+$0x5130] =	vst v0  }
0x19: {  	[tilespmem:s23+$0x5140] =	vst v0  }
0x1a: {  	[tilespmem:s23+$0x5150] =	vst v0  }
0x1b: {  	[tilespmem:s23+$0x5160] =	vst v0;
	s23 =	sshra.s32 s24, $0x2;
	s24 =	sadd.s32 $0x200, s24  }
0x1c: {  	[tilespmem:s23+$0x5170] =	vst v0  }
0x1d: {  	[tilespmem:s23+$0x5100] =	vst v0  }
0x1e: {  	[tilespmem:s23+$0x5110] =	vst v0  }
0x1f: {  	[tilespmem:s23+$0x5120] =	vst v0  }
0x20: {  	[tilespmem:s23+$0x5130] =	vst v0  }
0x21: {  	[tilespmem:s23+$0x5140] =	vst v0  }
0x22: {  	[tilespmem:s23+$0x5150] =	vst v0  }
0x23: {  	[tilespmem:s23+$0x5160] =	vst v0  }
0x24: {  	[spmem:s8] =	stream.linear.scatter [tilespmem:s16], [sflag:$0x2], $0x6800, $0x38;
	[tilespmem:$0x1F180] =	vst v63  }
0x25: {  	_ =	swait.ge [sflag:s17], $0x6800  }
0x26: {  	[sflag:s17] =	ssyncset.done $0x0  }
0x27: {  	[sflag:s17] =	ssyncadd.s32 $0xFFFF9800  }
0x28: {  	[spmem:s9] =	stream.linear.scatter [tilespmem:s16], [sflag:$0x2], $0x6800, $0x38;
	[tilespmem:$0x1F180] =	vst v63  }
0x29: {  	_ =	swait.ge [sflag:s17], $0x6800  }
0x2a: {  	[sflag:s17] =	ssyncset.done $0x0  }
0x2b: {  	[sflag:s17] =	ssyncadd.s32 $0xFFFF9800  }
0x2c: {  	[spmem:s10] =	stream.linear.scatter [tilespmem:s16], [sflag:$0x2], $0x6800, $0x38;
	[tilespmem:$0x1F180] =	vst v63  }
0x2d: {  	_ =	swait.ge [sflag:s17], $0x6800  }
0x2e: {  	[sflag:s17] =	ssyncset.done $0x0  }
0x2f: {  	s23 =	simm.s32 @!p0 $0x5100;
	[sflag:s17] =	ssyncadd.s32 $0xFFFF9800  }
0x30: {  	[spmem:s11] =	stream.linear.scatter @!p0 [tilespmem:s23], [sflag:$0x2], $0x800, $0x38;
	[tilespmem:$0x1F180] =	vst v63  }
0x31: {  	s23 =	simm.s32 @!p0 $0x2  }
0x32: {  	_ =	swait.ge @!p0 [sflag:s23], $0x800  }
0x33: {  	[sflag:s23] =	ssyncset.done @!p0 $0x0  }
0x34: {  	[sflag:s23] =	ssyncadd.s32 @!p0 $0xFFFFF800  }
0x35: {  	s24 =	simm.s32 $0x0;
	s23 =	simm.s32 $0x0;
	[bflag:$0x0] =	sbarrier.arrive $0xFFFF  }
.LBB2_4:
0x36: {  	s25 =	smul.u32 $0x50, s24;
	_ =	sdelay $0x1  }
0x37: {  	s25 =	sadd.s32 s12, s25  }
0x38: {  	s26 =	sshrl.u32 s25, $0x3  }
0x39: {  	s28 =	sadd.s32 s2, s26  }
0x3a: {  	[tilespmem:s23], [sflag:$0x2] =	stream.linear.gather [hbm4b:s28+s23], $0x50, $0x38;
	[tilespmem:$0x1F180] =	vst v63  }
0x3b: {  	_ =	swait.ge [sflag:s17], $0x50  }
0x3c: {  	[sflag:s17] =	ssyncset.done $0x0  }
0x3d: {  	s26 =	sadd.s32 s3, s26;
	[sflag:s17] =	ssyncadd.s32 $0xFFFFFFB0  }
0x3e: {  	[tilespmem:s18], [sflag:$0x2] =	stream.linear.gather [hbm4b:s26+s23], $0x50, $0x38;
	[tilespmem:$0x1F180] =	vst v63  }
0x3f: {  	_ =	swait.ge [sflag:s17], $0x50  }
0x40: {  	[sflag:s17] =	ssyncset.done $0x0  }
0x41: {  	[sflag:s17] =	ssyncadd.s32 $0xFFFFFFB0  }
0x42: {  	[tilespmem:s20], [sflag:$0x1] =	stream.indirect.gather [hbm4b:s1+s19], $0x80, s23, s19, $0xb8;
	[tilespmem:$0x1F180] =	vst v63  }
0x43: {  	_ =	swait.ge [sflag:s21], $0x2800  }
0x44: {  	s25 =	sshll.u32 s25, $0x4;
	[sflag:s21] =	ssyncset.done $0x0  }
0x45: {  	s25 =	sadd.s32 s7, s25;
	[sflag:s21] =	ssyncadd.s32 $0xFFFFD800  }
0x46: {  	[tilespmem:s22], [sflag:$0x2] =	stream.linear.gather [hbm4b:s25+s23], $0x2800, $0x38;
	[tilespmem:$0x1F180] =	vst v63  }
0x47: {  	_ =	swait.ge [sflag:s17], $0x2800  }
0x48: {  	[sflag:s17] =	ssyncset.done $0x0  }
0x49: {  	s25 =	simm.s32 $0x0;
	[sflag:s17] =	ssyncadd.s32 $0xFFFFD800  }
0x4a: {  	v7 =	vld [tilespmem:s25+$0x100]  }
0x4b: {  	v12 =	vld [tilespmem:s25+$0x110]  }
0x4c: {  	v6 =	vld [tilespmem:s25+$0x120]  }
0x4d: {  	v5 =	vld [tilespmem:s25+$0x130]  }
0x4e: {  	v4 =	vld [tilespmem:s25+$0x140]  }
0x4f: {  	v3 =	vld [tilespmem:s25+$0x150]  }
0x50: {  	v2 =	vld [tilespmem:s25+$0x160]  }
0x51: {  	v1 =	vld [tilespmem:s25+$0x170]  }
0x52: {  	v13 =	vld [tilespmem:s25+$0x2900]  }
0x53: {  	v14 =	vld [tilespmem:s25+$0x2910]  }
0x54: {  	v11 =	vld [tilespmem:s25+$0x2920]  }
0x55: {  	v10 =	vld [tilespmem:s25+$0x2930]  }
0x56: {  	v9 =	vld [tilespmem:s25+$0x2940]  }
0x57: {  	v8 =	vld [tilespmem:s25+$0x2950];
	v13 =	vadd.f32 v13, v7  }
0x58: {  	s26 =	simm.s32 $0x200;
	v12 =	vadd.f32 v14, v12;
	v7 =	vld [tilespmem:s25+$0x2960]  }
.LBB2_5:
0x59: {  	s28 =	sshra.s32 s26, $0x2;
	p1 =	sne.s32 s26, $0x9E00;
	v13 =	vmax.f32 v13, $0.0e+00;
	v6 =	vadd.f32 v11, v6;
	v11 =	vld [tilespmem:s25+$0x2970]  }
0x5a: {  	v14 =	vld [tilespmem:s28+$0x100];
	[tilespmem:s25+$0x2900] =	vst v13;
	v12 =	vmax.f32 v12, $0.0e+00;
	v5 =	vadd.f32 v10, v5  }
0x5b: {  	v15 =	vld [tilespmem:s28+$0x110];
	[tilespmem:s25+$0x2910] =	vst v12;
	v10 =	vmax.f32 v6, $0.0e+00;
	v4 =	vadd.f32 v9, v4  }
0x5c: {  	v6 =	vld [tilespmem:s28+$0x120];
	[tilespmem:s25+$0x2920] =	vst v10;
	v9 =	vmax.f32 v5, $0.0e+00;
	v3 =	vadd.f32 v8, v3  }
0x5d: {  	v5 =	vld [tilespmem:s28+$0x130];
	[tilespmem:s25+$0x2930] =	vst v9;
	v8 =	vmax.f32 v4, $0.0e+00;
	v2 =	vadd.f32 v7, v2  }
0x5e: {  	v4 =	vld [tilespmem:s28+$0x140];
	[tilespmem:s25+$0x2940] =	vst v8;
	v7 =	vmax.f32 v3, $0.0e+00;
	v1 =	vadd.f32 v11, v1  }
0x5f: {  	v3 =	vld [tilespmem:s28+$0x150];
	[tilespmem:s25+$0x2950] =	vst v7;
	v7 =	vmax.f32 v2, $0.0e+00  }
0x60: {  	v2 =	vld [tilespmem:s28+$0x160];
	[tilespmem:s25+$0x2960] =	vst v7;
	v7 =	vmax.f32 v1, $0.0e+00  }
0x61: {  	v1 =	vld [tilespmem:s28+$0x170];
	[tilespmem:s25+$0x2970] =	vst v7;
	s25 =	smov.u32 s28  }
0x62: {  	v7 =	vld [tilespmem:s25+$0x2900]  }
0x63: {  	v12 =	vld [tilespmem:s25+$0x2910]  }
.Ltmp1:
0x64: {  	v11 =	vld [tilespmem:s25+$0x2920];
	(pc) =	sbr.rel @p1 .LBB2_5-.Ltmp1, $4  }
0x65: {  	v10 =	vld [tilespmem:s25+$0x2930]  }
0x66: {  	v9 =	vld [tilespmem:s25+$0x2940]  }
0x67: {  	v13 =	vadd.f32 v7, v14;
	v8 =	vld [tilespmem:s25+$0x2950]  }
0x68: {  	s26 =	sadd.s32 $0x200, s26;
	v12 =	vadd.f32 v12, v15;
	v7 =	vld [tilespmem:s25+$0x2960]  }
0x69: {  	v13 =	vmax.f32 v13, $0.0e+00;
	v6 =	vadd.f32 v11, v6;
	v63 =	vld [tilespmem:s25+$0x2970]  }
0x6a: {  	[tilespmem:s25+$0x2900] =	vst v13;
	v12 =	vmax.f32 v12, $0.0e+00;
	v5 =	vadd.f32 v10, v5  }
0x6b: {  	[tilespmem:s25+$0x2910] =	vst v12;
	v6 =	vmax.f32 v6, $0.0e+00;
	v4 =	vadd.f32 v9, v4  }
0x6c: {  	[tilespmem:s25+$0x2920] =	vst v6;
	v5 =	vmax.f32 v5, $0.0e+00;
	v3 =	vadd.f32 v8, v3  }
0x6d: {  	[tilespmem:s25+$0x2930] =	vst v5;
	v4 =	vmax.f32 v4, $0.0e+00;
	v2 =	vadd.f32 v7, v2  }
0x6e: {  	[tilespmem:s25+$0x2940] =	vst v4;
	v3 =	vmax.f32 v3, $0.0e+00;
	v1 =	vadd.f32 v63, v1  }
0x6f: {  	s24 =	sadd.s32 $0x1, s24;
	[tilespmem:s25+$0x2950] =	vst v3;
	v2 =	vmax.f32 v2, $0.0e+00  }
0x70: {  	p1 =	sne.s32 s24, $0x7D;
	[tilespmem:s25+$0x2960] =	vst v2;
	v1 =	vmax.f32 v1, $0.0e+00  }
.Ltmp2:
0x71: {  	[tilespmem:s25+$0x2970] =	vst v1;
	(pc) =	sbr.rel @p1 .LBB2_4-.Ltmp2, $4  }
0x72: {  	[spmem:s4] =	stream.indirect.scatter.add.f32 [tilespmem:s22], [sflag:$0x2], $0x80, s18, s19, $0xb8;
	[tilespmem:$0x1F180] =	vst v63  }
0x73: {  	_ =	swait.ge [sflag:s17], $0x2800  }
0x74: {  	[sflag:s17] =	ssyncset.done $0x0  }
0x75: {  	[sflag:s17] =	ssyncadd.s32 $0xFFFFD800  }
0x76: {  	s23 =	sshll.u32 s6, $0x6  }
0x77: {  	[bflag:$0x0] =	sbarrier.arrive $0xFFFF;
	s24 =	sshrl.u32 s8, $0x3;
	s23 =	sor.u32 $0x1C02, s23  }
0x78: {  	[hbm:s13], [sflag:s23] =	dma.local [spmem:s24], $0x2700  }
0x79: {  	_ =	swait.ge [sflag:s17], $0x2700  }
0x7a: {  	s5 =	sadd.s32 $0x1, s5;
	[sflag:s17] =	ssyncset.done $0x0  }
0x7b: {  	p1 =	sne.s32 s5, s15;
	s24 =	sshrl.u32 @!p0 s11, $0x3;
	[sflag:s17] =	ssyncadd.s32 $0xFFFFD900  }
0x7c: {  	[hbm:s14], [sflag:s23] =	dma.local @!p0 [spmem:s24], $0x100  }
.Ltmp3:
0x7d: {  	_ = 	snop;
	(pc) =	sbr.rel @p1 .LBB2_1-.Ltmp3, $4  }
0x7e: {  	s23 =	simm.s32 @!p0 $0x2  }
0x7f: {  	_ =	swait.ge @!p0 [sflag:s23], $0x100  }
0x80: {  	[sflag:s23] =	ssyncset.done @!p0 $0x0  }
0x81: {  	[sflag:s23] =	ssyncadd.s32 @!p0 $0xFFFFFF00  }
0x82: {  	_ =	sfence.sel $0x180000  }
0x83: {  	[bflag:$0x0] =	sbarrier.arrive $0xFFFF  }
0x84: {  	_ =	strace $0x90000047  }
0x85: {  	s0 =	sadd.s32 @!p0 $0x100000, s0;
	[bflag:$0x2] =	sbarrier.arrive $0xFFFF  }
0x86: {  	[sflag:s0] =	ssyncadd.tile.s32 @!p0 $0x1;
	_ =	shalt  }
.Lfunc_end2:
_tile_overlayer_lowered:
.L_overlay_start_2:
0x87: {  	(tag) =	ssettag $0x2  }
0x88: {  	s0 =	rddreg [dreg:$0x0];
	s2 =	stileid.u32  }
0x89: {  	s1 =	rddreg [dreg:$0x1];
	p0 =	sne.s32 s2, $0x0  }
0x8a: {  	s3 =	rddreg [dreg:$0x2];
	[bflag:$0x3] =	sbarrier.arrive $0xFFFF;
	s2 =	simm.s32 @!p0 $0x1C02  }
0x8b: {  	[timem:s3], [sflag:s2] =	dma.local @!p0 [hbm:s0], s1  }
0x8c: {  	s0 =	simm.s32 @!p0 $0x2  }
0x8d: {  	_ =	swait.ge @!p0 [sflag:s0], s1  }
0x8e: {  	s1 =	ssub.s32 @!p0 $0x0, s1;
	[sflag:s0] =	ssyncset.done @!p0 $0x0  }
0x8f: {  	[sflag:s0] =	ssyncadd.s32 @!p0 s1  }
0x90: {  	[bflag:$0x3] =	sbarrier.arrive $0xFFFF  }
0x91: {  	_ =	shalt  }

</sc_bundles>
